<compile_context>
chip_gen: v7x
topology: tpu7x:2x2x1
jax: 0.10.2.dev20260603
libtpu: 0.0.44.dev20260713+nightly
codegen_flags: <defaults>
</compile_context>

<pallas_src>
import functools

import jax
import jax.numpy as jnp
from jax import lax
from jax.experimental import pallas as pl
from jax.experimental.pallas import tpu as pltpu
from jax.experimental.pallas import tpu_sc as plsc

N_UNITS = 100000
K_SUB = 5
BATCH = 1024
N_REC = 4096

NC = 2
NS = 16
NW = NC * NS
R_PER_W = N_REC // NW
LANES = 16
RCHUNK = 8
NSTEP = R_PER_W // RCHUNK
GROWS = RCHUNK * K_SUB
BCHUNKS = BATCH // LANES


def _sc_body(et_hbm, idx_hbm, c_hbm, out_hbm,
             g0, g1, or0, or1, idxv, cv,
             sg0, sg1, so0, so1):
    cid = lax.axis_index("c")
    sid = lax.axis_index("s")
    wid = sid * NC + cid
    ebase = wid * (R_PER_W * K_SUB)
    rbase = wid * R_PER_W

    pltpu.sync_copy(idx_hbm.at[pl.ds(ebase, R_PER_W * K_SUB)], idxv)
    pltpu.sync_copy(c_hbm, cv)

    gbufs = (g0, g1)
    gsems = (sg0, sg1)
    orows = (or0, or1)
    osems = (so0, so1)

    def issue(step, par):
        pltpu.async_copy(
            et_hbm.at[idxv.at[pl.ds(step * GROWS, GROWS)]],
            gbufs[par],
            gsems[par],
        )

    def g_wait(par):
        pltpu.make_async_copy(
            et_hbm.at[pl.ds(0, GROWS)], gbufs[par], gsems[par]).wait()

    issue(0, 0)
    issue(1, 1)

    def step_body(sc, carry):
        for par in range(2):
            step = sc * 2 + par
            g_wait(par)
            gb = gbufs[par]
            orow = orows[par]

            @pl.when(step >= 2)
            def _wait_out():
                pltpu.make_async_copy(
                    orow, out_hbm.at[pl.ds(0, RCHUNK)], osems[par]).wait()

            def m_body(m, c2):
                o = m * LANES
                c5 = cv[pl.ds(o, LANES)] * jnp.float32(K_SUB)
                for rr in range(RCHUNK):
                    s = gb[rr * K_SUB, pl.ds(o, LANES)]
                    for k in range(1, K_SUB):
                        s = s + gb[rr * K_SUB + k, pl.ds(o, LANES)]
                    t = c5 - s
                    p = 1.0 / (1.0 + jnp.exp(-t))
                    orow[rr, pl.ds(o, LANES)] = p
                return c2

            lax.fori_loop(0, BCHUNKS, m_body, 0)

            @pl.when(step + 2 < NSTEP)
            def _refill():
                issue(step + 2, par)

            pltpu.async_copy(
                orow,
                out_hbm.at[pl.ds(rbase + step * RCHUNK, RCHUNK)],
                osems[par],
            )
        return carry

    lax.fori_loop(0, NSTEP // 2, step_body, 0)

    pltpu.make_async_copy(or0, out_hbm.at[pl.ds(0, RCHUNK)], so0).wait()
    pltpu.make_async_copy(or1, out_hbm.at[pl.ds(0, RCHUNK)], so1).wait()


@jax.jit
def _sc_call(et, idxf, conc):
    mesh = plsc.VectorSubcoreMesh(core_axis_name="c", subcore_axis_name="s")
    f = functools.partial(
        pl.kernel,
        out_type=jax.ShapeDtypeStruct((N_REC, BATCH), jnp.float32),
        mesh=mesh,
        compiler_params=pltpu.CompilerParams(
            needs_layout_passes=False, use_tc_tiling_on_sc=True),
        scratch_types=[
            pltpu.VMEM((GROWS, BATCH), jnp.float32),
            pltpu.VMEM((GROWS, BATCH), jnp.float32),
            pltpu.VMEM((RCHUNK, BATCH), jnp.float32),
            pltpu.VMEM((RCHUNK, BATCH), jnp.float32),
            pltpu.VMEM((R_PER_W * K_SUB,), jnp.int32),
            pltpu.VMEM((BATCH,), jnp.float32),
            pltpu.SemaphoreType.DMA,
            pltpu.SemaphoreType.DMA,
            pltpu.SemaphoreType.DMA,
            pltpu.SemaphoreType.DMA,
        ],
    )(_sc_body)
    return f(et, idxf, conc)


def kernel(energies, concentrations, receptor_indices):
    et = energies.T
    idxf = receptor_indices.astype(jnp.int32).reshape(-1)
    out_t = _sc_call(et, idxf, concentrations)
    return out_t.T

# --- scband reference (transcript-rebuilt; emitter-appended) ---
"""Pipeline reference for scband-base-receptor-14551349199568 (READ-ONLY COPY).

The authoritative reference and input builder live on the scoring server;
editing this copy changes nothing except your own understanding.
"""

import jax, jax.numpy as jnp
import numpy as np

N_UNITS = 100000
K_SUB = 5
BATCH = 1024
N_REC = 4096


def setup_inputs(seed: int = 0) -> dict:
    key = jax.random.key(seed)
    k1, k2, k3 = jax.random.split(key, 3)
    energies = jax.random.normal(k1, (BATCH, N_UNITS), dtype=jnp.float32)
    concentrations = jax.random.uniform(k2, (BATCH,), dtype=jnp.float32)
    receptor_indices = jax.random.randint(k3, (N_REC, K_SUB), 0, N_UNITS)
    return {
        "energies": energies,
        "concentrations": concentrations,
        "receptor_indices": receptor_indices,
    }


def _p_open(c_reshaped, energies_k):
    # Concrete threshold-style physics (BaseReceptor.p_open is abstract):
    # activation probability is a sigmoid of the summed (concentration - energy)
    # over the k_sub subunits of each receptor.
    # c_reshaped: (B, 1, 1); energies_k: (B, R, k_sub) -> broadcast, sum over k.
    return jax.nn.sigmoid(jnp.sum(c_reshaped - energies_k, axis=-1))


def reference(energies, concentrations, receptor_indices):
    batch_size = energies.shape[0]
    n_receptors = receptor_indices.shape[0]
    flat_indices = receptor_indices.reshape(-1)
    # gather: energies[:, flat_indices]
    gathered_flat = jnp.take(energies, flat_indices, axis=1)
    energies_k = gathered_flat.reshape(batch_size, n_receptors, K_SUB)
    c_reshaped = concentrations.reshape(batch_size, 1, 1)
    p_o = _p_open(c_reshaped, energies_k)
    return jnp.clip(p_o, 0.0, 1.0)

if __name__ == "__main__":
    import jax
    _d = setup_inputs()
    print(jax.jit(kernel)(*tuple(_d.values())))

</pallas_src>

<mosaic_0001>
#map = affine_map<(d0, d1) -> (0, 0)>
#map1 = affine_map<(d0, d1) -> (0)>
module attributes {stable_mosaic.version = 14 : i64} {
  func.func @_sc_body(%arg0: i32, %arg1: i32, %arg2: memref<100000x1024xf32, #tpu.memory_space<hbm>>, %arg3: memref<20480xi32, #tpu.memory_space<hbm>>, %arg4: memref<1024xf32, #tpu.memory_space<hbm>>, %arg5: memref<4096x1024xf32, #tpu.memory_space<hbm>>, %arg6: memref<40x1024xf32, #tpu.memory_space<vmem>>, %arg7: memref<40x1024xf32, #tpu.memory_space<vmem>>, %arg8: memref<8x1024xf32, #tpu.memory_space<vmem>>, %arg9: memref<8x1024xf32, #tpu.memory_space<vmem>>, %arg10: memref<640xi32, #tpu.memory_space<vmem>>, %arg11: memref<1024xf32, #tpu.memory_space<vmem>>, %arg12: memref<!tpu.dma_semaphore, #tpu.memory_space<semaphore_mem>>, %arg13: memref<!tpu.dma_semaphore, #tpu.memory_space<semaphore_mem>>, %arg14: memref<!tpu.dma_semaphore, #tpu.memory_space<semaphore_mem>>, %arg15: memref<!tpu.dma_semaphore, #tpu.memory_space<semaphore_mem>>) attributes {dimension_semantics = [#tpu.dimension_semantics<core_parallel>, #tpu.dimension_semantics<subcore_parallel>], iteration_bounds = array<i64: 2, 16>, scalar_prefetch = 0 : i64, scratch_operands = 10 : i64, tpu.core_type = #tpu.core_type<sc_vector_subcore>, window_params = [{transform_indices = #map}, {transform_indices = #map1}, {transform_indices = #map1}, {transform_indices = #map}]} {
    %mul3A = arith.constant 2 : i32
    %mul3A_0 = arith.muli %arg1, %mul3A : i32
    %add3A = arith.addi %mul3A_0, %arg0 : i32
    %mul3A_1 = arith.constant 640 : i32
    %mul3A_2 = arith.muli %add3A, %mul3A_1 : i32
    %mul3A_3 = arith.constant 128 : i32
    %mul3A_4 = arith.muli %add3A, %mul3A_3 : i32
    "tpu.region"() ({
      %run_scoped3A = tpu.sem_alloc : memref<!tpu.dma_semaphore, #tpu.memory_space<semaphore_mem>>
      %dma_start3A_30 = tpu.memref_slice %arg3[%mul3A_2] : memref<20480xi32, #tpu.memory_space<hbm>> -> memref<640xi32, #tpu.memory_space<hbm>>
      %dma_start3A_31 = tpu.memref_slice %arg3[%mul3A_2] : memref<20480xi32, #tpu.memory_space<hbm>> -> memref<640xi32, #tpu.memory_space<hbm>>
      tpu.enqueue_dma source(%dma_start3A_31 : memref<640xi32, #tpu.memory_space<hbm>>) target(%arg10 : memref<640xi32, #tpu.memory_space<vmem>>) target_semaphore(%run_scoped3A : memref<!tpu.dma_semaphore, #tpu.memory_space<semaphore_mem>>)
      %dma_wait3A_32 = tpu.memref_slice %arg3[%mul3A_2] : memref<20480xi32, #tpu.memory_space<hbm>> -> memref<640xi32, #tpu.memory_space<hbm>>
      %dma_wait3A_33 = tpu.memref_slice %arg3[%mul3A_2] : memref<20480xi32, #tpu.memory_space<hbm>> -> memref<640xi32, #tpu.memory_space<hbm>>
      tpu.wait_dma2 semaphore(%run_scoped3A : memref<!tpu.dma_semaphore, #tpu.memory_space<semaphore_mem>>) src(%dma_wait3A_33 : memref<640xi32, #tpu.memory_space<hbm>>) dst(%arg10 : memref<640xi32, #tpu.memory_space<vmem>>)
      tpu.yield
    }) : () -> ()
    "tpu.region"() ({
      %run_scoped3A = tpu.sem_alloc : memref<!tpu.dma_semaphore, #tpu.memory_space<semaphore_mem>>
      tpu.enqueue_dma source(%arg4 : memref<1024xf32, #tpu.memory_space<hbm>>) target(%arg11 : memref<1024xf32, #tpu.memory_space<vmem>>) target_semaphore(%run_scoped3A : memref<!tpu.dma_semaphore, #tpu.memory_space<semaphore_mem>>)
      tpu.wait_dma2 semaphore(%run_scoped3A : memref<!tpu.dma_semaphore, #tpu.memory_space<semaphore_mem>>) src(%arg4 : memref<1024xf32, #tpu.memory_space<hbm>>) dst(%arg11 : memref<1024xf32, #tpu.memory_space<vmem>>)
      tpu.yield
    }) : () -> ()
    %dma_start3A = arith.constant 0 : i32
    %dma_start3A_5 = tpu.memref_slice %arg10[%dma_start3A] : memref<640xi32, #tpu.memory_space<vmem>> -> memref<40xi32, #tpu.memory_space<vmem>>
    %dma_start3A_6 = arith.constant 0 : i32
    %dma_start3A_7 = arith.constant 0 : i32
    %dma_start3A_8 = tpu.memref_slice %arg2[%dma_start3A_6, %dma_start3A_7] : memref<100000x1024xf32, #tpu.memory_space<hbm>> -> memref<100000x1024xf32, #tpu.memory_space<hbm>>
    tpu.enqueue_indirect_dma source(%dma_start3A_8 : memref<100000x1024xf32, #tpu.memory_space<hbm>>) target(%arg6 : memref<40x1024xf32, #tpu.memory_space<vmem>>) offsets(%dma_start3A_5 : memref<40xi32, #tpu.memory_space<vmem>>) semaphore(%arg12 : memref<!tpu.dma_semaphore, #tpu.memory_space<semaphore_mem>>)
    %dma_start3A_9 = arith.constant 40 : i32
    %dma_start3A_10 = tpu.memref_slice %arg10[%dma_start3A_9] : memref<640xi32, #tpu.memory_space<vmem>> -> memref<40xi32, #tpu.memory_space<vmem>>
    %dma_start3A_11 = arith.constant 0 : i32
    %dma_start3A_12 = arith.constant 0 : i32
    %dma_start3A_13 = tpu.memref_slice %arg2[%dma_start3A_11, %dma_start3A_12] : memref<100000x1024xf32, #tpu.memory_space<hbm>> -> memref<100000x1024xf32, #tpu.memory_space<hbm>>
    tpu.enqueue_indirect_dma source(%dma_start3A_13 : memref<100000x1024xf32, #tpu.memory_space<hbm>>) target(%arg7 : memref<40x1024xf32, #tpu.memory_space<vmem>>) offsets(%dma_start3A_10 : memref<40xi32, #tpu.memory_space<vmem>>) semaphore(%arg13 : memref<!tpu.dma_semaphore, #tpu.memory_space<semaphore_mem>>)
    %scan3A = arith.constant 0 : i32
    %scan3A_14 = arith.constant 0 : i32
    %scan3A_15 = arith.constant 8 : i32
    %scan3A_16 = arith.addi %scan3A_14, %scan3A_15 : i32
    %scan3A_17 = arith.constant 1 : i32
    scf.for %scan3A_30 = %scan3A_14 to %scan3A_16 step %scan3A_17  : i32 {
      %mul3A_31 = arith.constant 2 : i32
      %mul3A_32 = arith.muli %scan3A_30, %mul3A_31 : i32
      %add3A_33 = arith.constant 0 : i32
      %add3A_34 = arith.addi %mul3A_32, %add3A_33 : i32
      %dma_wait3A_35 = arith.constant 0 : i32
      %dma_wait3A_36 = arith.constant 0 : i32
      %dma_wait3A_37 = tpu.memref_slice %arg2[%dma_wait3A_35, %dma_wait3A_36] : memref<100000x1024xf32, #tpu.memory_space<hbm>> -> memref<40x1024xf32, #tpu.memory_space<hbm>>
      %dma_wait3A_38 = arith.constant 0 : i32
      %dma_wait3A_39 = arith.constant 0 : i32
      %dma_wait3A_40 = tpu.memref_slice %arg2[%dma_wait3A_38, %dma_wait3A_39] : memref<100000x1024xf32, #tpu.memory_space<hbm>> -> memref<40x1024xf32, #tpu.memory_space<hbm>>
      tpu.wait_dma2 semaphore(%arg12 : memref<!tpu.dma_semaphore, #tpu.memory_space<semaphore_mem>>) src(%dma_wait3A_40 : memref<40x1024xf32, #tpu.memory_space<hbm>>) dst(%arg6 : memref<40x1024xf32, #tpu.memory_space<vmem>>)
      %ge3A = arith.constant 2 : i32
      %ge3A_41 = arith.cmpi sge, %add3A_34, %ge3A : i32
      %convert_element_type3A = arith.extui %ge3A_41 : i1 to i32
      %cond3A = arith.constant 0 : i32
      %cond3A_42 = arith.cmpi ne, %convert_element_type3A, %cond3A : i32
      scf.if %cond3A_42 {
        %dma_wait3A_97 = arith.constant 0 : i32
        %dma_wait3A_98 = arith.constant 0 : i32
        %dma_wait3A_99 = tpu.memref_slice %arg5[%dma_wait3A_97, %dma_wait3A_98] : memref<4096x1024xf32, #tpu.memory_space<hbm>> -> memref<8x1024xf32, #tpu.memory_space<hbm>>
        %dma_wait3A_100 = arith.constant 0 : i32
        %dma_wait3A_101 = arith.constant 0 : i32
        %dma_wait3A_102 = tpu.memref_slice %arg5[%dma_wait3A_100, %dma_wait3A_101] : memref<4096x1024xf32, #tpu.memory_space<hbm>> -> memref<8x1024xf32, #tpu.memory_space<hbm>>
        tpu.wait_dma2 semaphore(%arg14 : memref<!tpu.dma_semaphore, #tpu.memory_space<semaphore_mem>>) src(%arg8 : memref<8x1024xf32, #tpu.memory_space<vmem>>) dst(%dma_wait3A_102 : memref<8x1024xf32, #tpu.memory_space<hbm>>)
      } else {
      }
      %scan3A_43 = arith.constant 0 : i32
      %scan3A_44 = arith.constant 0 : i32
      %scan3A_45 = arith.constant 64 : i32
      %scan3A_46 = arith.addi %scan3A_44, %scan3A_45 : i32
      %scan3A_47 = arith.constant 1 : i32
      scf.for %scan3A_97 = %scan3A_44 to %scan3A_46 step %scan3A_47  : i32 {
        %mul3A_98 = arith.constant 16 : i32
        %mul3A_99 = arith.muli %scan3A_97, %mul3A_98 : i32
        %get3A = arith.index_cast %mul3A_99 : i32 to index
        %get3A_100 = tpu.vector_load %arg11[%get3A] {strides = array<i32>} : memref<1024xf32, #tpu.memory_space<vmem>>, vector<16xf32>,
        %mul3A_101 = arith.constant 5.000000e+00 : f32
        %mul3A_102 = vector.broadcast %mul3A_101 : f32 to vector<16xf32>
        %mul3A_103 = arith.mulf %get3A_100, %mul3A_102 : vector<16xf32>
        %get3A_104 = arith.constant 0 : i32
        %get3A_105 = arith.index_cast %get3A_104 : i32 to index
        %get3A_106 = arith.index_cast %mul3A_99 : i32 to index
        %get3A_107 = tpu.vector_load %arg6[%get3A_105, %get3A_106] {strides = array<i32>} : memref<40x1024xf32, #tpu.memory_space<vmem>>, vector<16xf32>,
        %get3A_108 = arith.constant 1 : i32
        %get3A_109 = arith.index_cast %get3A_108 : i32 to index
        %get3A_110 = arith.index_cast %mul3A_99 : i32 to index
        %get3A_111 = tpu.vector_load %arg6[%get3A_109, %get3A_110] {strides = array<i32>} : memref<40x1024xf32, #tpu.memory_space<vmem>>, vector<16xf32>,
        %add3A_112 = arith.addf %get3A_107, %get3A_111 : vector<16xf32>
        %get3A_113 = arith.constant 2 : i32
        %get3A_114 = arith.index_cast %get3A_113 : i32 to index
        %get3A_115 = arith.index_cast %mul3A_99 : i32 to index
        %get3A_116 = tpu.vector_load %arg6[%get3A_114, %get3A_115] {strides = array<i32>} : memref<40x1024xf32, #tpu.memory_space<vmem>>, vector<16xf32>,
        %add3A_117 = arith.addf %add3A_112, %get3A_116 : vector<16xf32>
        %get3A_118 = arith.constant 3 : i32
        %get3A_119 = arith.index_cast %get3A_118 : i32 to index
        %get3A_120 = arith.index_cast %mul3A_99 : i32 to index
        %get3A_121 = tpu.vector_load %arg6[%get3A_119, %get3A_120] {strides = array<i32>} : memref<40x1024xf32, #tpu.memory_space<vmem>>, vector<16xf32>,
        %add3A_122 = arith.addf %add3A_117, %get3A_121 : vector<16xf32>
        %get3A_123 = arith.constant 4 : i32
        %get3A_124 = arith.index_cast %get3A_123 : i32 to index
        %get3A_125 = arith.index_cast %mul3A_99 : i32 to index
        %get3A_126 = tpu.vector_load %arg6[%get3A_124, %get3A_125] {strides = array<i32>} : memref<40x1024xf32, #tpu.memory_space<vmem>>, vector<16xf32>,
        %add3A_127 = arith.addf %add3A_122, %get3A_126 : vector<16xf32>
        %sub3A = arith.subf %mul3A_103, %add3A_127 : vector<16xf32>
        %neg3A = arith.constant 0.000000e+00 : f32
        %neg3A_128 = vector.broadcast %neg3A : f32 to vector<16xf32>
        %neg3A_129 = arith.subf %neg3A_128, %sub3A : vector<16xf32>
        %exp3A = math.exp %neg3A_129 : vector<16xf32>
        %add3A_130 = arith.constant 1.000000e+00 : f32
        %add3A_131 = vector.broadcast %add3A_130 : f32 to vector<16xf32>
        %add3A_132 = arith.addf %add3A_131, %exp3A : vector<16xf32>
        %div3A = arith.constant 1.000000e+00 : f32
        %div3A_133 = vector.broadcast %div3A : f32 to vector<16xf32>
        %div3A_134 = arith.divf %div3A_133, %add3A_132 : vector<16xf32>
        %swap3A = arith.constant 0 : i32
        %swap3A_135 = arith.index_cast %swap3A : i32 to index
        %swap3A_136 = arith.index_cast %mul3A_99 : i32 to index
        %swap3A_137 = tpu.vector_load %arg8[%swap3A_135, %swap3A_136] {strides = array<i32>} : memref<8x1024xf32, #tpu.memory_space<vmem>>, vector<16xf32>,
        tpu.vector_store %arg8[%swap3A_135, %swap3A_136], %div3A_134 {strides = array<i32>} : memref<8x1024xf32, #tpu.memory_space<vmem>>, vector<16xf32>,
        %get3A_138 = arith.constant 5 : i32
        %get3A_139 = arith.index_cast %get3A_138 : i32 to index
        %get3A_140 = arith.index_cast %mul3A_99 : i32 to index
        %get3A_141 = tpu.vector_load %arg6[%get3A_139, %get3A_140] {strides = array<i32>} : memref<40x1024xf32, #tpu.memory_space<vmem>>, vector<16xf32>,
        %get3A_142 = arith.constant 6 : i32
        %get3A_143 = arith.index_cast %get3A_142 : i32 to index
        %get3A_144 = arith.index_cast %mul3A_99 : i32 to index
        %get3A_145 = tpu.vector_load %arg6[%get3A_143, %get3A_144] {strides = array<i32>} : memref<40x1024xf32, #tpu.memory_space<vmem>>, vector<16xf32>,
        %add3A_146 = arith.addf %get3A_141, %get3A_145 : vector<16xf32>
        %get3A_147 = arith.constant 7 : i32
        %get3A_148 = arith.index_cast %get3A_147 : i32 to index
        %get3A_149 = arith.index_cast %mul3A_99 : i32 to index
        %get3A_150 = tpu.vector_load %arg6[%get3A_148, %get3A_149] {strides = array<i32>} : memref<40x1024xf32, #tpu.memory_space<vmem>>, vector<16xf32>,
        %add3A_151 = arith.addf %add3A_146, %get3A_150 : vector<16xf32>
        %get3A_152 = arith.constant 8 : i32
        %get3A_153 = arith.index_cast %get3A_152 : i32 to index
        %get3A_154 = arith.index_cast %mul3A_99 : i32 to index
        %get3A_155 = tpu.vector_load %arg6[%get3A_153, %get3A_154] {strides = array<i32>} : memref<40x1024xf32, #tpu.memory_space<vmem>>, vector<16xf32>,
        %add3A_156 = arith.addf %add3A_151, %get3A_155 : vector<16xf32>
        %get3A_157 = arith.constant 9 : i32
        %get3A_158 = arith.index_cast %get3A_157 : i32 to index
        %get3A_159 = arith.index_cast %mul3A_99 : i32 to index
        %get3A_160 = tpu.vector_load %arg6[%get3A_158, %get3A_159] {strides = array<i32>} : memref<40x1024xf32, #tpu.memory_space<vmem>>, vector<16xf32>,
        %add3A_161 = arith.addf %add3A_156, %get3A_160 : vector<16xf32>
        %sub3A_162 = arith.subf %mul3A_103, %add3A_161 : vector<16xf32>
        %neg3A_163 = arith.constant 0.000000e+00 : f32
        %neg3A_164 = vector.broadcast %neg3A_163 : f32 to vector<16xf32>
        %neg3A_165 = arith.subf %neg3A_164, %sub3A_162 : vector<16xf32>
        %exp3A_166 = math.exp %neg3A_165 : vector<16xf32>
        %add3A_167 = arith.constant 1.000000e+00 : f32
        %add3A_168 = vector.broadcast %add3A_167 : f32 to vector<16xf32>
        %add3A_169 = arith.addf %add3A_168, %exp3A_166 : vector<16xf32>
        %div3A_170 = arith.constant 1.000000e+00 : f32
        %div3A_171 = vector.broadcast %div3A_170 : f32 to vector<16xf32>
        %div3A_172 = arith.divf %div3A_171, %add3A_169 : vector<16xf32>
        %swap3A_173 = arith.constant 1 : i32
        %swap3A_174 = arith.index_cast %swap3A_173 : i32 to index
        %swap3A_175 = arith.index_cast %mul3A_99 : i32 to index
        %swap3A_176 = tpu.vector_load %arg8[%swap3A_174, %swap3A_175] {strides = array<i32>} : memref<8x1024xf32, #tpu.memory_space<vmem>>, vector<16xf32>,
        tpu.vector_store %arg8[%swap3A_174, %swap3A_175], %div3A_172 {strides = array<i32>} : memref<8x1024xf32, #tpu.memory_space<vmem>>, vector<16xf32>,
        %get3A_177 = arith.constant 10 : i32
        %get3A_178 = arith.index_cast %get3A_177 : i32 to index
        %get3A_179 = arith.index_cast %mul3A_99 : i32 to index
        %get3A_180 = tpu.vector_load %arg6[%get3A_178, %get3A_179] {strides = array<i32>} : memref<40x1024xf32, #tpu.memory_space<vmem>>, vector<16xf32>,
        %get3A_181 = arith.constant 11 : i32
        %get3A_182 = arith.index_cast %get3A_181 : i32 to index
        %get3A_183 = arith.index_cast %mul3A_99 : i32 to index
        %get3A_184 = tpu.vector_load %arg6[%get3A_182, %get3A_183] {strides = array<i32>} : memref<40x1024xf32, #tpu.memory_space<vmem>>, vector<16xf32>,
        %add3A_185 = arith.addf %get3A_180, %get3A_184 : vector<16xf32>
        %get3A_186 = arith.constant 12 : i32
        %get3A_187 = arith.index_cast %get3A_186 : i32 to index
        %get3A_188 = arith.index_cast %mul3A_99 : i32 to index
        %get3A_189 = tpu.vector_load %arg6[%get3A_187, %get3A_188] {strides = array<i32>} : memref<40x1024xf32, #tpu.memory_space<vmem>>, vector<16xf32>,
        %add3A_190 = arith.addf %add3A_185, %get3A_189 : vector<16xf32>
        %get3A_191 = arith.constant 13 : i32
        %get3A_192 = arith.index_cast %get3A_191 : i32 to index
        %get3A_193 = arith.index_cast %mul3A_99 : i32 to index
        %get3A_194 = tpu.vector_load %arg6[%get3A_192, %get3A_193] {strides = array<i32>} : memref<40x1024xf32, #tpu.memory_space<vmem>>, vector<16xf32>,
        %add3A_195 = arith.addf %add3A_190, %get3A_194 : vector<16xf32>
        %get3A_196 = arith.constant 14 : i32
        %get3A_197 = arith.index_cast %get3A_196 : i32 to index
        %get3A_198 = arith.index_cast %mul3A_99 : i32 to index
        %get3A_199 = tpu.vector_load %arg6[%get3A_197, %get3A_198] {strides = array<i32>} : memref<40x1024xf32, #tpu.memory_space<vmem>>, vector<16xf32>,
        %add3A_200 = arith.addf %add3A_195, %get3A_199 : vector<16xf32>
        %sub3A_201 = arith.subf %mul3A_103, %add3A_200 : vector<16xf32>
        %neg3A_202 = arith.constant 0.000000e+00 : f32
        %neg3A_203 = vector.broadcast %neg3A_202 : f32 to vector<16xf32>
        %neg3A_204 = arith.subf %neg3A_203, %sub3A_201 : vector<16xf32>
        %exp3A_205 = math.exp %neg3A_204 : vector<16xf32>
        %add3A_206 = arith.constant 1.000000e+00 : f32
        %add3A_207 = vector.broadcast %add3A_206 : f32 to vector<16xf32>
        %add3A_208 = arith.addf %add3A_207, %exp3A_205 : vector<16xf32>
        %div3A_209 = arith.constant 1.000000e+00 : f32
        %div3A_210 = vector.broadcast %div3A_209 : f32 to vector<16xf32>
        %div3A_211 = arith.divf %div3A_210, %add3A_208 : vector<16xf32>
        %swap3A_212 = arith.constant 2 : i32
        %swap3A_213 = arith.index_cast %swap3A_212 : i32 to index
        %swap3A_214 = arith.index_cast %mul3A_99 : i32 to index
        %swap3A_215 = tpu.vector_load %arg8[%swap3A_213, %swap3A_214] {strides = array<i32>} : memref<8x1024xf32, #tpu.memory_space<vmem>>, vector<16xf32>,
        tpu.vector_store %arg8[%swap3A_213, %swap3A_214], %div3A_211 {strides = array<i32>} : memref<8x1024xf32, #tpu.memory_space<vmem>>, vector<16xf32>,
        %get3A_216 = arith.constant 15 : i32
        %get3A_217 = arith.index_cast %get3A_216 : i32 to index
        %get3A_218 = arith.index_cast %mul3A_99 : i32 to index
        %get3A_219 = tpu.vector_load %arg6[%get3A_217, %get3A_218] {strides = array<i32>} : memref<40x1024xf32, #tpu.memory_space<vmem>>, vector<16xf32>,
        %get3A_220 = arith.constant 16 : i32
        %get3A_221 = arith.index_cast %get3A_220 : i32 to index
        %get3A_222 = arith.index_cast %mul3A_99 : i32 to index
        %get3A_223 = tpu.vector_load %arg6[%get3A_221, %get3A_222] {strides = array<i32>} : memref<40x1024xf32, #tpu.memory_space<vmem>>, vector<16xf32>,
        %add3A_224 = arith.addf %get3A_219, %get3A_223 : vector<16xf32>
        %get3A_225 = arith.constant 17 : i32
        %get3A_226 = arith.index_cast %get3A_225 : i32 to index
        %get3A_227 = arith.index_cast %mul3A_99 : i32 to index
        %get3A_228 = tpu.vector_load %arg6[%get3A_226, %get3A_227] {strides = array<i32>} : memref<40x1024xf32, #tpu.memory_space<vmem>>, vector<16xf32>,
        %add3A_229 = arith.addf %add3A_224, %get3A_228 : vector<16xf32>
        %get3A_230 = arith.constant 18 : i32
        %get3A_231 = arith.index_cast %get3A_230 : i32 to index
        %get3A_232 = arith.index_cast %mul3A_99 : i32 to index
        %get3A_233 = tpu.vector_load %arg6[%get3A_231, %get3A_232] {strides = array<i32>} : memref<40x1024xf32, #tpu.memory_space<vmem>>, vector<16xf32>,
        %add3A_234 = arith.addf %add3A_229, %get3A_233 : vector<16xf32>
        %get3A_235 = arith.constant 19 : i32
        %get3A_236 = arith.index_cast %get3A_235 : i32 to index
        %get3A_237 = arith.index_cast %mul3A_99 : i32 to index
        %get3A_238 = tpu.vector_load %arg6[%get3A_236, %get3A_237] {strides = array<i32>} : memref<40x1024xf32, #tpu.memory_space<vmem>>, vector<16xf32>,
        %add3A_239 = arith.addf %add3A_234, %get3A_238 : vector<16xf32>
        %sub3A_240 = arith.subf %mul3A_103, %add3A_239 : vector<16xf32>
        %neg3A_241 = arith.constant 0.000000e+00 : f32
        %neg3A_242 = vector.broadcast %neg3A_241 : f32 to vector<16xf32>
        %neg3A_243 = arith.subf %neg3A_242, %sub3A_240 : vector<16xf32>
        %exp3A_244 = math.exp %neg3A_243 : vector<16xf32>
        %add3A_245 = arith.constant 1.000000e+00 : f32
        %add3A_246 = vector.broadcast %add3A_245 : f32 to vector<16xf32>
        %add3A_247 = arith.addf %add3A_246, %exp3A_244 : vector<16xf32>
        %div3A_248 = arith.constant 1.000000e+00 : f32
        %div3A_249 = vector.broadcast %div3A_248 : f32 to vector<16xf32>
        %div3A_250 = arith.divf %div3A_249, %add3A_247 : vector<16xf32>
        %swap3A_251 = arith.constant 3 : i32
        %swap3A_252 = arith.index_cast %swap3A_251 : i32 to index
        %swap3A_253 = arith.index_cast %mul3A_99 : i32 to index
        %swap3A_254 = tpu.vector_load %arg8[%swap3A_252, %swap3A_253] {strides = array<i32>} : memref<8x1024xf32, #tpu.memory_space<vmem>>, vector<16xf32>,
        tpu.vector_store %arg8[%swap3A_252, %swap3A_253], %div3A_250 {strides = array<i32>} : memref<8x1024xf32, #tpu.memory_space<vmem>>, vector<16xf32>,
        %get3A_255 = arith.constant 20 : i32
        %get3A_256 = arith.index_cast %get3A_255 : i32 to index
        %get3A_257 = arith.index_cast %mul3A_99 : i32 to index
        %get3A_258 = tpu.vector_load %arg6[%get3A_256, %get3A_257] {strides = array<i32>} : memref<40x1024xf32, #tpu.memory_space<vmem>>, vector<16xf32>,
        %get3A_259 = arith.constant 21 : i32
        %get3A_260 = arith.index_cast %get3A_259 : i32 to index
        %get3A_261 = arith.index_cast %mul3A_99 : i32 to index
        %get3A_262 = tpu.vector_load %arg6[%get3A_260, %get3A_261] {strides = array<i32>} : memref<40x1024xf32, #tpu.memory_space<vmem>>, vector<16xf32>,
        %add3A_263 = arith.addf %get3A_258, %get3A_262 : vector<16xf32>
        %get3A_264 = arith.constant 22 : i32
        %get3A_265 = arith.index_cast %get3A_264 : i32 to index
        %get3A_266 = arith.index_cast %mul3A_99 : i32 to index
        %get3A_267 = tpu.vector_load %arg6[%get3A_265, %get3A_266] {strides = array<i32>} : memref<40x1024xf32, #tpu.memory_space<vmem>>, vector<16xf32>,
        %add3A_268 = arith.addf %add3A_263, %get3A_267 : vector<16xf32>
        %get3A_269 = arith.constant 23 : i32
        %get3A_270 = arith.index_cast %get3A_269 : i32 to index
        %get3A_271 = arith.index_cast %mul3A_99 : i32 to index
        %get3A_272 = tpu.vector_load %arg6[%get3A_270, %get3A_271] {strides = array<i32>} : memref<40x1024xf32, #tpu.memory_space<vmem>>, vector<16xf32>,
        %add3A_273 = arith.addf %add3A_268, %get3A_272 : vector<16xf32>
        %get3A_274 = arith.constant 24 : i32
        %get3A_275 = arith.index_cast %get3A_274 : i32 to index
        %get3A_276 = arith.index_cast %mul3A_99 : i32 to index
        %get3A_277 = tpu.vector_load %arg6[%get3A_275, %get3A_276] {strides = array<i32>} : memref<40x1024xf32, #tpu.memory_space<vmem>>, vector<16xf32>,
        %add3A_278 = arith.addf %add3A_273, %get3A_277 : vector<16xf32>
        %sub3A_279 = arith.subf %mul3A_103, %add3A_278 : vector<16xf32>
        %neg3A_280 = arith.constant 0.000000e+00 : f32
        %neg3A_281 = vector.broadcast %neg3A_280 : f32 to vector<16xf32>
        %neg3A_282 = arith.subf %neg3A_281, %sub3A_279 : vector<16xf32>
        %exp3A_283 = math.exp %neg3A_282 : vector<16xf32>
        %add3A_284 = arith.constant 1.000000e+00 : f32
        %add3A_285 = vector.broadcast %add3A_284 : f32 to vector<16xf32>
        %add3A_286 = arith.addf %add3A_285, %exp3A_283 : vector<16xf32>
        %div3A_287 = arith.constant 1.000000e+00 : f32
        %div3A_288 = vector.broadcast %div3A_287 : f32 to vector<16xf32>
        %div3A_289 = arith.divf %div3A_288, %add3A_286 : vector<16xf32>
        %swap3A_290 = arith.constant 4 : i32
        %swap3A_291 = arith.index_cast %swap3A_290 : i32 to index
        %swap3A_292 = arith.index_cast %mul3A_99 : i32 to index
        %swap3A_293 = tpu.vector_load %arg8[%swap3A_291, %swap3A_292] {strides = array<i32>} : memref<8x1024xf32, #tpu.memory_space<vmem>>, vector<16xf32>,
        tpu.vector_store %arg8[%swap3A_291, %swap3A_292], %div3A_289 {strides = array<i32>} : memref<8x1024xf32, #tpu.memory_space<vmem>>, vector<16xf32>,
        %get3A_294 = arith.constant 25 : i32
        %get3A_295 = arith.index_cast %get3A_294 : i32 to index
        %get3A_296 = arith.index_cast %mul3A_99 : i32 to index
        %get3A_297 = tpu.vector_load %arg6[%get3A_295, %get3A_296] {strides = array<i32>} : memref<40x1024xf32, #tpu.memory_space<vmem>>, vector<16xf32>,
        %get3A_298 = arith.constant 26 : i32
        %get3A_299 = arith.index_cast %get3A_298 : i32 to index
        %get3A_300 = arith.index_cast %mul3A_99 : i32 to index
        %get3A_301 = tpu.vector_load %arg6[%get3A_299, %get3A_300] {strides = array<i32>} : memref<40x1024xf32, #tpu.memory_space<vmem>>, vector<16xf32>,
        %add3A_302 = arith.addf %get3A_297, %get3A_301 : vector<16xf32>
        %get3A_303 = arith.constant 27 : i32
        %get3A_304 = arith.index_cast %get3A_303 : i32 to index
        %get3A_305 = arith.index_cast %mul3A_99 : i32 to index
        %get3A_306 = tpu.vector_load %arg6[%get3A_304, %get3A_305] {strides = array<i32>} : memref<40x1024xf32, #tpu.memory_space<vmem>>, vector<16xf32>,
        %add3A_307 = arith.addf %add3A_302, %get3A_306 : vector<16xf32>
        %get3A_308 = arith.constant 28 : i32
        %get3A_309 = arith.index_cast %get3A_308 : i32 to index
        %get3A_310 = arith.index_cast %mul3A_99 : i32 to index
        %get3A_311 = tpu.vector_load %arg6[%get3A_309, %get3A_310] {strides = array<i32>} : memref<40x1024xf32, #tpu.memory_space<vmem>>, vector<16xf32>,
        %add3A_312 = arith.addf %add3A_307, %get3A_311 : vector<16xf32>
        %get3A_313 = arith.constant 29 : i32
        %get3A_314 = arith.index_cast %get3A_313 : i32 to index
        %get3A_315 = arith.index_cast %mul3A_99 : i32 to index
        %get3A_316 = tpu.vector_load %arg6[%get3A_314, %get3A_315] {strides = array<i32>} : memref<40x1024xf32, #tpu.memory_space<vmem>>, vector<16xf32>,
        %add3A_317 = arith.addf %add3A_312, %get3A_316 : vector<16xf32>
        %sub3A_318 = arith.subf %mul3A_103, %add3A_317 : vector<16xf32>
        %neg3A_319 = arith.constant 0.000000e+00 : f32
        %neg3A_320 = vector.broadcast %neg3A_319 : f32 to vector<16xf32>
        %neg3A_321 = arith.subf %neg3A_320, %sub3A_318 : vector<16xf32>
        %exp3A_322 = math.exp %neg3A_321 : vector<16xf32>
        %add3A_323 = arith.constant 1.000000e+00 : f32
        %add3A_324 = vector.broadcast %add3A_323 : f32 to vector<16xf32>
        %add3A_325 = arith.addf %add3A_324, %exp3A_322 : vector<16xf32>
        %div3A_326 = arith.constant 1.000000e+00 : f32
        %div3A_327 = vector.broadcast %div3A_326 : f32 to vector<16xf32>
        %div3A_328 = arith.divf %div3A_327, %add3A_325 : vector<16xf32>
        %swap3A_329 = arith.constant 5 : i32
        %swap3A_330 = arith.index_cast %swap3A_329 : i32 to index
        %swap3A_331 = arith.index_cast %mul3A_99 : i32 to index
        %swap3A_332 = tpu.vector_load %arg8[%swap3A_330, %swap3A_331] {strides = array<i32>} : memref<8x1024xf32, #tpu.memory_space<vmem>>, vector<16xf32>,
        tpu.vector_store %arg8[%swap3A_330, %swap3A_331], %div3A_328 {strides = array<i32>} : memref<8x1024xf32, #tpu.memory_space<vmem>>, vector<16xf32>,
        %get3A_333 = arith.constant 30 : i32
        %get3A_334 = arith.index_cast %get3A_333 : i32 to index
        %get3A_335 = arith.index_cast %mul3A_99 : i32 to index
        %get3A_336 = tpu.vector_load %arg6[%get3A_334, %get3A_335] {strides = array<i32>} : memref<40x1024xf32, #tpu.memory_space<vmem>>, vector<16xf32>,
        %get3A_337 = arith.constant 31 : i32
        %get3A_338 = arith.index_cast %get3A_337 : i32 to index
        %get3A_339 = arith.index_cast %mul3A_99 : i32 to index
        %get3A_340 = tpu.vector_load %arg6[%get3A_338, %get3A_339] {strides = array<i32>} : memref<40x1024xf32, #tpu.memory_space<vmem>>, vector<16xf32>,
        %add3A_341 = arith.addf %get3A_336, %get3A_340 : vector<16xf32>
        %get3A_342 = arith.constant 32 : i32
        %get3A_343 = arith.index_cast %get3A_342 : i32 to index
        %get3A_344 = arith.index_cast %mul3A_99 : i32 to index
        %get3A_345 = tpu.vector_load %arg6[%get3A_343, %get3A_344] {strides = array<i32>} : memref<40x1024xf32, #tpu.memory_space<vmem>>, vector<16xf32>,
        %add3A_346 = arith.addf %add3A_341, %get3A_345 : vector<16xf32>
        %get3A_347 = arith.constant 33 : i32
        %get3A_348 = arith.index_cast %get3A_347 : i32 to index
        %get3A_349 = arith.index_cast %mul3A_99 : i32 to index
        %get3A_350 = tpu.vector_load %arg6[%get3A_348, %get3A_349] {strides = array<i32>} : memref<40x1024xf32, #tpu.memory_space<vmem>>, vector<16xf32>,
        %add3A_351 = arith.addf %add3A_346, %get3A_350 : vector<16xf32>
        %get3A_352 = arith.constant 34 : i32
        %get3A_353 = arith.index_cast %get3A_352 : i32 to index
        %get3A_354 = arith.index_cast %mul3A_99 : i32 to index
        %get3A_355 = tpu.vector_load %arg6[%get3A_353, %get3A_354] {strides = array<i32>} : memref<40x1024xf32, #tpu.memory_space<vmem>>, vector<16xf32>,
        %add3A_356 = arith.addf %add3A_351, %get3A_355 : vector<16xf32>
        %sub3A_357 = arith.subf %mul3A_103, %add3A_356 : vector<16xf32>
        %neg3A_358 = arith.constant 0.000000e+00 : f32
        %neg3A_359 = vector.broadcast %neg3A_358 : f32 to vector<16xf32>
        %neg3A_360 = arith.subf %neg3A_359, %sub3A_357 : vector<16xf32>
        %exp3A_361 = math.exp %neg3A_360 : vector<16xf32>
        %add3A_362 = arith.constant 1.000000e+00 : f32
        %add3A_363 = vector.broadcast %add3A_362 : f32 to vector<16xf32>
        %add3A_364 = arith.addf %add3A_363, %exp3A_361 : vector<16xf32>
        %div3A_365 = arith.constant 1.000000e+00 : f32
        %div3A_366 = vector.broadcast %div3A_365 : f32 to vector<16xf32>
        %div3A_367 = arith.divf %div3A_366, %add3A_364 : vector<16xf32>
        %swap3A_368 = arith.constant 6 : i32
        %swap3A_369 = arith.index_cast %swap3A_368 : i32 to index
        %swap3A_370 = arith.index_cast %mul3A_99 : i32 to index
        %swap3A_371 = tpu.vector_load %arg8[%swap3A_369, %swap3A_370] {strides = array<i32>} : memref<8x1024xf32, #tpu.memory_space<vmem>>, vector<16xf32>,
        tpu.vector_store %arg8[%swap3A_369, %swap3A_370], %div3A_367 {strides = array<i32>} : memref<8x1024xf32, #tpu.memory_space<vmem>>, vector<16xf32>,
        %get3A_372 = arith.constant 35 : i32
        %get3A_373 = arith.index_cast %get3A_372 : i32 to index
        %get3A_374 = arith.index_cast %mul3A_99 : i32 to index
        %get3A_375 = tpu.vector_load %arg6[%get3A_373, %get3A_374] {strides = array<i32>} : memref<40x1024xf32, #tpu.memory_space<vmem>>, vector<16xf32>,
        %get3A_376 = arith.constant 36 : i32
        %get3A_377 = arith.index_cast %get3A_376 : i32 to index
        %get3A_378 = arith.index_cast %mul3A_99 : i32 to index
        %get3A_379 = tpu.vector_load %arg6[%get3A_377, %get3A_378] {strides = array<i32>} : memref<40x1024xf32, #tpu.memory_space<vmem>>, vector<16xf32>,
        %add3A_380 = arith.addf %get3A_375, %get3A_379 : vector<16xf32>
        %get3A_381 = arith.constant 37 : i32
        %get3A_382 = arith.index_cast %get3A_381 : i32 to index
        %get3A_383 = arith.index_cast %mul3A_99 : i32 to index
        %get3A_384 = tpu.vector_load %arg6[%get3A_382, %get3A_383] {strides = array<i32>} : memref<40x1024xf32, #tpu.memory_space<vmem>>, vector<16xf32>,
        %add3A_385 = arith.addf %add3A_380, %get3A_384 : vector<16xf32>
        %get3A_386 = arith.constant 38 : i32
        %get3A_387 = arith.index_cast %get3A_386 : i32 to index
        %get3A_388 = arith.index_cast %mul3A_99 : i32 to index
        %get3A_389 = tpu.vector_load %arg6[%get3A_387, %get3A_388] {strides = array<i32>} : memref<40x1024xf32, #tpu.memory_space<vmem>>, vector<16xf32>,
        %add3A_390 = arith.addf %add3A_385, %get3A_389 : vector<16xf32>
        %get3A_391 = arith.constant 39 : i32
        %get3A_392 = arith.index_cast %get3A_391 : i32 to index
        %get3A_393 = arith.index_cast %mul3A_99 : i32 to index
        %get3A_394 = tpu.vector_load %arg6[%get3A_392, %get3A_393] {strides = array<i32>} : memref<40x1024xf32, #tpu.memory_space<vmem>>, vector<16xf32>,
        %add3A_395 = arith.addf %add3A_390, %get3A_394 : vector<16xf32>
        %sub3A_396 = arith.subf %mul3A_103, %add3A_395 : vector<16xf32>
        %neg3A_397 = arith.constant 0.000000e+00 : f32
        %neg3A_398 = vector.broadcast %neg3A_397 : f32 to vector<16xf32>
        %neg3A_399 = arith.subf %neg3A_398, %sub3A_396 : vector<16xf32>
        %exp3A_400 = math.exp %neg3A_399 : vector<16xf32>
        %add3A_401 = arith.constant 1.000000e+00 : f32
        %add3A_402 = vector.broadcast %add3A_401 : f32 to vector<16xf32>
        %add3A_403 = arith.addf %add3A_402, %exp3A_400 : vector<16xf32>
        %div3A_404 = arith.constant 1.000000e+00 : f32
        %div3A_405 = vector.broadcast %div3A_404 : f32 to vector<16xf32>
        %div3A_406 = arith.divf %div3A_405, %add3A_403 : vector<16xf32>
        %swap3A_407 = arith.constant 7 : i32
        %swap3A_408 = arith.index_cast %swap3A_407 : i32 to index
        %swap3A_409 = arith.index_cast %mul3A_99 : i32 to index
        %swap3A_410 = tpu.vector_load %arg8[%swap3A_408, %swap3A_409] {strides = array<i32>} : memref<8x1024xf32, #tpu.memory_space<vmem>>, vector<16xf32>,
        tpu.vector_store %arg8[%swap3A_408, %swap3A_409], %div3A_406 {strides = array<i32>} : memref<8x1024xf32, #tpu.memory_space<vmem>>, vector<16xf32>,
      }
      %scan3A_48 = arith.constant 64 : i32
      %add3A_49 = arith.constant 2 : i32
      %add3A_50 = arith.addi %add3A_34, %add3A_49 : i32
      %lt3A = arith.constant 16 : i32
      %lt3A_51 = arith.cmpi slt, %add3A_50, %lt3A : i32
      %convert_element_type3A_52 = arith.extui %lt3A_51 : i1 to i32
      %cond3A_53 = arith.constant 0 : i32
      %cond3A_54 = arith.cmpi ne, %convert_element_type3A_52, %cond3A_53 : i32
      scf.if %cond3A_54 {
        %add3A_97 = arith.constant 2 : i32
        %add3A_98 = arith.addi %add3A_34, %add3A_97 : i32
        %mul3A_99 = arith.constant 40 : i32
        %mul3A_100 = arith.muli %add3A_98, %mul3A_99 : i32
        %dma_start3A_101 = tpu.memref_slice %arg10[%mul3A_100] : memref<640xi32, #tpu.memory_space<vmem>> -> memref<40xi32, #tpu.memory_space<vmem>>
        %dma_start3A_102 = arith.constant 0 : i32
        %dma_start3A_103 = arith.constant 0 : i32
        %dma_start3A_104 = tpu.memref_slice %arg2[%dma_start3A_102, %dma_start3A_103] : memref<100000x1024xf32, #tpu.memory_space<hbm>> -> memref<100000x1024xf32, #tpu.memory_space<hbm>>
        tpu.enqueue_indirect_dma source(%dma_start3A_104 : memref<100000x1024xf32, #tpu.memory_space<hbm>>) target(%arg6 : memref<40x1024xf32, #tpu.memory_space<vmem>>) offsets(%dma_start3A_101 : memref<40xi32, #tpu.memory_space<vmem>>) semaphore(%arg12 : memref<!tpu.dma_semaphore, #tpu.memory_space<semaphore_mem>>)
      } else {
      }
      %mul3A_55 = arith.constant 8 : i32
      %mul3A_56 = arith.muli %add3A_34, %mul3A_55 : i32
      %add3A_57 = arith.addi %mul3A_4, %mul3A_56 : i32
      %dma_start3A_58 = arith.constant 0 : i32
      %dma_start3A_59 = tpu.memref_slice %arg5[%add3A_57, %dma_start3A_58] : memref<4096x1024xf32, #tpu.memory_space<hbm>> -> memref<8x1024xf32, #tpu.memory_space<hbm>>
      %dma_start3A_60 = arith.constant 0 : i32
      %dma_start3A_61 = tpu.memref_slice %arg5[%add3A_57, %dma_start3A_60] : memref<4096x1024xf32, #tpu.memory_space<hbm>> -> memref<8x1024xf32, #tpu.memory_space<hbm>>
      tpu.enqueue_dma source(%arg8 : memref<8x1024xf32, #tpu.memory_space<vmem>>) target(%dma_start3A_61 : memref<8x1024xf32, #tpu.memory_space<hbm>>) target_semaphore(%arg14 : memref<!tpu.dma_semaphore, #tpu.memory_space<semaphore_mem>>)
      %mul3A_62 = arith.constant 2 : i32
      %mul3A_63 = arith.muli %scan3A_30, %mul3A_62 : i32
      %add3A_64 = arith.constant 1 : i32
      %add3A_65 = arith.addi %mul3A_63, %add3A_64 : i32
      %dma_wait3A_66 = arith.constant 0 : i32
      %dma_wait3A_67 = arith.constant 0 : i32
      %dma_wait3A_68 = tpu.memref_slice %arg2[%dma_wait3A_66, %dma_wait3A_67] : memref<100000x1024xf32, #tpu.memory_space<hbm>> -> memref<40x1024xf32, #tpu.memory_space<hbm>>
      %dma_wait3A_69 = arith.constant 0 : i32
      %dma_wait3A_70 = arith.constant 0 : i32
      %dma_wait3A_71 = tpu.memref_slice %arg2[%dma_wait3A_69, %dma_wait3A_70] : memref<100000x1024xf32, #tpu.memory_space<hbm>> -> memref<40x1024xf32, #tpu.memory_space<hbm>>
      tpu.wait_dma2 semaphore(%arg13 : memref<!tpu.dma_semaphore, #tpu.memory_space<semaphore_mem>>) src(%dma_wait3A_71 : memref<40x1024xf32, #tpu.memory_space<hbm>>) dst(%arg7 : memref<40x1024xf32, #tpu.memory_space<vmem>>)
      %ge3A_72 = arith.constant 2 : i32
      %ge3A_73 = arith.cmpi sge, %add3A_65, %ge3A_72 : i32
      %convert_element_type3A_74 = arith.extui %ge3A_73 : i1 to i32
      %cond3A_75 = arith.constant 0 : i32
      %cond3A_76 = arith.cmpi ne, %convert_element_type3A_74, %cond3A_75 : i32
      scf.if %cond3A_76 {
        %dma_wait3A_97 = arith.constant 0 : i32
        %dma_wait3A_98 = arith.constant 0 : i32
        %dma_wait3A_99 = tpu.memref_slice %arg5[%dma_wait3A_97, %dma_wait3A_98] : memref<4096x1024xf32, #tpu.memory_space<hbm>> -> memref<8x1024xf32, #tpu.memory_space<hbm>>
        %dma_wait3A_100 = arith.constant 0 : i32
        %dma_wait3A_101 = arith.constant 0 : i32
        %dma_wait3A_102 = tpu.memref_slice %arg5[%dma_wait3A_100, %dma_wait3A_101] : memref<4096x1024xf32, #tpu.memory_space<hbm>> -> memref<8x1024xf32, #tpu.memory_space<hbm>>
        tpu.wait_dma2 semaphore(%arg15 : memref<!tpu.dma_semaphore, #tpu.memory_space<semaphore_mem>>) src(%arg9 : memref<8x1024xf32, #tpu.memory_space<vmem>>) dst(%dma_wait3A_102 : memref<8x1024xf32, #tpu.memory_space<hbm>>)
      } else {
      }
      %scan3A_77 = arith.constant 0 : i32
      %scan3A_78 = arith.constant 0 : i32
      %scan3A_79 = arith.constant 64 : i32
      %scan3A_80 = arith.addi %scan3A_78, %scan3A_79 : i32
      %scan3A_81 = arith.constant 1 : i32
      scf.for %scan3A_97 = %scan3A_78 to %scan3A_80 step %scan3A_81  : i32 {
        %mul3A_98 = arith.constant 16 : i32
        %mul3A_99 = arith.muli %scan3A_97, %mul3A_98 : i32
        %get3A = arith.index_cast %mul3A_99 : i32 to index
        %get3A_100 = tpu.vector_load %arg11[%get3A] {strides = array<i32>} : memref<1024xf32, #tpu.memory_space<vmem>>, vector<16xf32>,
        %mul3A_101 = arith.constant 5.000000e+00 : f32
        %mul3A_102 = vector.broadcast %mul3A_101 : f32 to vector<16xf32>
        %mul3A_103 = arith.mulf %get3A_100, %mul3A_102 : vector<16xf32>
        %get3A_104 = arith.constant 0 : i32
        %get3A_105 = arith.index_cast %get3A_104 : i32 to index
        %get3A_106 = arith.index_cast %mul3A_99 : i32 to index
        %get3A_107 = tpu.vector_load %arg7[%get3A_105, %get3A_106] {strides = array<i32>} : memref<40x1024xf32, #tpu.memory_space<vmem>>, vector<16xf32>,
        %get3A_108 = arith.constant 1 : i32
        %get3A_109 = arith.index_cast %get3A_108 : i32 to index
        %get3A_110 = arith.index_cast %mul3A_99 : i32 to index
        %get3A_111 = tpu.vector_load %arg7[%get3A_109, %get3A_110] {strides = array<i32>} : memref<40x1024xf32, #tpu.memory_space<vmem>>, vector<16xf32>,
        %add3A_112 = arith.addf %get3A_107, %get3A_111 : vector<16xf32>
        %get3A_113 = arith.constant 2 : i32
        %get3A_114 = arith.index_cast %get3A_113 : i32 to index
        %get3A_115 = arith.index_cast %mul3A_99 : i32 to index
        %get3A_116 = tpu.vector_load %arg7[%get3A_114, %get3A_115] {strides = array<i32>} : memref<40x1024xf32, #tpu.memory_space<vmem>>, vector<16xf32>,
        %add3A_117 = arith.addf %add3A_112, %get3A_116 : vector<16xf32>
        %get3A_118 = arith.constant 3 : i32
        %get3A_119 = arith.index_cast %get3A_118 : i32 to index
        %get3A_120 = arith.index_cast %mul3A_99 : i32 to index
        %get3A_121 = tpu.vector_load %arg7[%get3A_119, %get3A_120] {strides = array<i32>} : memref<40x1024xf32, #tpu.memory_space<vmem>>, vector<16xf32>,
        %add3A_122 = arith.addf %add3A_117, %get3A_121 : vector<16xf32>
        %get3A_123 = arith.constant 4 : i32
        %get3A_124 = arith.index_cast %get3A_123 : i32 to index
        %get3A_125 = arith.index_cast %mul3A_99 : i32 to index
        %get3A_126 = tpu.vector_load %arg7[%get3A_124, %get3A_125] {strides = array<i32>} : memref<40x1024xf32, #tpu.memory_space<vmem>>, vector<16xf32>,
        %add3A_127 = arith.addf %add3A_122, %get3A_126 : vector<16xf32>
        %sub3A = arith.subf %mul3A_103, %add3A_127 : vector<16xf32>
        %neg3A = arith.constant 0.000000e+00 : f32
        %neg3A_128 = vector.broadcast %neg3A : f32 to vector<16xf32>
        %neg3A_129 = arith.subf %neg3A_128, %sub3A : vector<16xf32>
        %exp3A = math.exp %neg3A_129 : vector<16xf32>
        %add3A_130 = arith.constant 1.000000e+00 : f32
        %add3A_131 = vector.broadcast %add3A_130 : f32 to vector<16xf32>
        %add3A_132 = arith.addf %add3A_131, %exp3A : vector<16xf32>
        %div3A = arith.constant 1.000000e+00 : f32
        %div3A_133 = vector.broadcast %div3A : f32 to vector<16xf32>
        %div3A_134 = arith.divf %div3A_133, %add3A_132 : vector<16xf32>
        %swap3A = arith.constant 0 : i32
        %swap3A_135 = arith.index_cast %swap3A : i32 to index
        %swap3A_136 = arith.index_cast %mul3A_99 : i32 to index
        %swap3A_137 = tpu.vector_load %arg9[%swap3A_135, %swap3A_136] {strides = array<i32>} : memref<8x1024xf32, #tpu.memory_space<vmem>>, vector<16xf32>,
        tpu.vector_store %arg9[%swap3A_135, %swap3A_136], %div3A_134 {strides = array<i32>} : memref<8x1024xf32, #tpu.memory_space<vmem>>, vector<16xf32>,
        %get3A_138 = arith.constant 5 : i32
        %get3A_139 = arith.index_cast %get3A_138 : i32 to index
        %get3A_140 = arith.index_cast %mul3A_99 : i32 to index
        %get3A_141 = tpu.vector_load %arg7[%get3A_139, %get3A_140] {strides = array<i32>} : memref<40x1024xf32, #tpu.memory_space<vmem>>, vector<16xf32>,
        %get3A_142 = arith.constant 6 : i32
        %get3A_143 = arith.index_cast %get3A_142 : i32 to index
        %get3A_144 = arith.index_cast %mul3A_99 : i32 to index
        %get3A_145 = tpu.vector_load %arg7[%get3A_143, %get3A_144] {strides = array<i32>} : memref<40x1024xf32, #tpu.memory_space<vmem>>, vector<16xf32>,
        %add3A_146 = arith.addf %get3A_141, %get3A_145 : vector<16xf32>
        %get3A_147 = arith.constant 7 : i32
        %get3A_148 = arith.index_cast %get3A_147 : i32 to index
        %get3A_149 = arith.index_cast %mul3A_99 : i32 to index
        %get3A_150 = tpu.vector_load %arg7[%get3A_148, %get3A_149] {strides = array<i32>} : memref<40x1024xf32, #tpu.memory_space<vmem>>, vector<16xf32>,
        %add3A_151 = arith.addf %add3A_146, %get3A_150 : vector<16xf32>
        %get3A_152 = arith.constant 8 : i32
        %get3A_153 = arith.index_cast %get3A_152 : i32 to index
        %get3A_154 = arith.index_cast %mul3A_99 : i32 to index
        %get3A_155 = tpu.vector_load %arg7[%get3A_153, %get3A_154] {strides = array<i32>} : memref<40x1024xf32, #tpu.memory_space<vmem>>, vector<16xf32>,
        %add3A_156 = arith.addf %add3A_151, %get3A_155 : vector<16xf32>
        %get3A_157 = arith.constant 9 : i32
        %get3A_158 = arith.index_cast %get3A_157 : i32 to index
        %get3A_159 = arith.index_cast %mul3A_99 : i32 to index
        %get3A_160 = tpu.vector_load %arg7[%get3A_158, %get3A_159] {strides = array<i32>} : memref<40x1024xf32, #tpu.memory_space<vmem>>, vector<16xf32>,
        %add3A_161 = arith.addf %add3A_156, %get3A_160 : vector<16xf32>
        %sub3A_162 = arith.subf %mul3A_103, %add3A_161 : vector<16xf32>
        %neg3A_163 = arith.constant 0.000000e+00 : f32
        %neg3A_164 = vector.broadcast %neg3A_163 : f32 to vector<16xf32>
        %neg3A_165 = arith.subf %neg3A_164, %sub3A_162 : vector<16xf32>
        %exp3A_166 = math.exp %neg3A_165 : vector<16xf32>
        %add3A_167 = arith.constant 1.000000e+00 : f32
        %add3A_168 = vector.broadcast %add3A_167 : f32 to vector<16xf32>
        %add3A_169 = arith.addf %add3A_168, %exp3A_166 : vector<16xf32>
        %div3A_170 = arith.constant 1.000000e+00 : f32
        %div3A_171 = vector.broadcast %div3A_170 : f32 to vector<16xf32>
        %div3A_172 = arith.divf %div3A_171, %add3A_169 : vector<16xf32>
        %swap3A_173 = arith.constant 1 : i32
        %swap3A_174 = arith.index_cast %swap3A_173 : i32 to index
        %swap3A_175 = arith.index_cast %mul3A_99 : i32 to index
        %swap3A_176 = tpu.vector_load %arg9[%swap3A_174, %swap3A_175] {strides = array<i32>} : memref<8x1024xf32, #tpu.memory_space<vmem>>, vector<16xf32>,
        tpu.vector_store %arg9[%swap3A_174, %swap3A_175], %div3A_172 {strides = array<i32>} : memref<8x1024xf32, #tpu.memory_space<vmem>>, vector<16xf32>,
        %get3A_177 = arith.constant 10 : i32
        %get3A_178 = arith.index_cast %get3A_177 : i32 to index
        %get3A_179 = arith.index_cast %mul3A_99 : i32 to index
        %get3A_180 = tpu.vector_load %arg7[%get3A_178, %get3A_179] {strides = array<i32>} : memref<40x1024xf32, #tpu.memory_space<vmem>>, vector<16xf32>,
        %get3A_181 = arith.constant 11 : i32
        %get3A_182 = arith.index_cast %get3A_181 : i32 to index
        %get3A_183 = arith.index_cast %mul3A_99 : i32 to index
        %get3A_184 = tpu.vector_load %arg7[%get3A_182, %get3A_183] {strides = array<i32>} : memref<40x1024xf32, #tpu.memory_space<vmem>>, vector<16xf32>,
        %add3A_185 = arith.addf %get3A_180, %get3A_184 : vector<16xf32>
        %get3A_186 = arith.constant 12 : i32
        %get3A_187 = arith.index_cast %get3A_186 : i32 to index
        %get3A_188 = arith.index_cast %mul3A_99 : i32 to index
        %get3A_189 = tpu.vector_load %arg7[%get3A_187, %get3A_188] {strides = array<i32>} : memref<40x1024xf32, #tpu.memory_space<vmem>>, vector<16xf32>,
        %add3A_190 = arith.addf %add3A_185, %get3A_189 : vector<16xf32>
        %get3A_191 = arith.constant 13 : i32
        %get3A_192 = arith.index_cast %get3A_191 : i32 to index
        %get3A_193 = arith.index_cast %mul3A_99 : i32 to index
        %get3A_194 = tpu.vector_load %arg7[%get3A_192, %get3A_193] {strides = array<i32>} : memref<40x1024xf32, #tpu.memory_space<vmem>>, vector<16xf32>,
        %add3A_195 = arith.addf %add3A_190, %get3A_194 : vector<16xf32>
        %get3A_196 = arith.constant 14 : i32
        %get3A_197 = arith.index_cast %get3A_196 : i32 to index
        %get3A_198 = arith.index_cast %mul3A_99 : i32 to index
        %get3A_199 = tpu.vector_load %arg7[%get3A_197, %get3A_198] {strides = array<i32>} : memref<40x1024xf32, #tpu.memory_space<vmem>>, vector<16xf32>,
        %add3A_200 = arith.addf %add3A_195, %get3A_199 : vector<16xf32>
        %sub3A_201 = arith.subf %mul3A_103, %add3A_200 : vector<16xf32>
        %neg3A_202 = arith.constant 0.000000e+00 : f32
        %neg3A_203 = vector.broadcast %neg3A_202 : f32 to vector<16xf32>
        %neg3A_204 = arith.subf %neg3A_203, %sub3A_201 : vector<16xf32>
        %exp3A_205 = math.exp %neg3A_204 : vector<16xf32>
        %add3A_206 = arith.constant 1.000000e+00 : f32
        %add3A_207 = vector.broadcast %add3A_206 : f32 to vector<16xf32>
        %add3A_208 = arith.addf %add3A_207, %exp3A_205 : vector<16xf32>
        %div3A_209 = arith.constant 1.000000e+00 : f32
        %div3A_210 = vector.broadcast %div3A_209 : f32 to vector<16xf32>
        %div3A_211 = arith.divf %div3A_210, %add3A_208 : vector<16xf32>
        %swap3A_212 = arith.constant 2 : i32
        %swap3A_213 = arith.index_cast %swap3A_212 : i32 to index
        %swap3A_214 = arith.index_cast %mul3A_99 : i32 to index
        %swap3A_215 = tpu.vector_load %arg9[%swap3A_213, %swap3A_214] {strides = array<i32>} : memref<8x1024xf32, #tpu.memory_space<vmem>>, vector<16xf32>,
        tpu.vector_store %arg9[%swap3A_213, %swap3A_214], %div3A_211 {strides = array<i32>} : memref<8x1024xf32, #tpu.memory_space<vmem>>, vector<16xf32>,
        %get3A_216 = arith.constant 15 : i32
        %get3A_217 = arith.index_cast %get3A_216 : i32 to index
        %get3A_218 = arith.index_cast %mul3A_99 : i32 to index
        %get3A_219 = tpu.vector_load %arg7[%get3A_217, %get3A_218] {strides = array<i32>} : memref<40x1024xf32, #tpu.memory_space<vmem>>, vector<16xf32>,
        %get3A_220 = arith.constant 16 : i32
        %get3A_221 = arith.index_cast %get3A_220 : i32 to index
        %get3A_222 = arith.index_cast %mul3A_99 : i32 to index
        %get3A_223 = tpu.vector_load %arg7[%get3A_221, %get3A_222] {strides = array<i32>} : memref<40x1024xf32, #tpu.memory_space<vmem>>, vector<16xf32>,
        %add3A_224 = arith.addf %get3A_219, %get3A_223 : vector<16xf32>
        %get3A_225 = arith.constant 17 : i32
        %get3A_226 = arith.index_cast %get3A_225 : i32 to index
        %get3A_227 = arith.index_cast %mul3A_99 : i32 to index
        %get3A_228 = tpu.vector_load %arg7[%get3A_226, %get3A_227] {strides = array<i32>} : memref<40x1024xf32, #tpu.memory_space<vmem>>, vector<16xf32>,
        %add3A_229 = arith.addf %add3A_224, %get3A_228 : vector<16xf32>
        %get3A_230 = arith.constant 18 : i32
        %get3A_231 = arith.index_cast %get3A_230 : i32 to index
        %get3A_232 = arith.index_cast %mul3A_99 : i32 to index
        %get3A_233 = tpu.vector_load %arg7[%get3A_231, %get3A_232] {strides = array<i32>} : memref<40x1024xf32, #tpu.memory_space<vmem>>, vector<16xf32>,
        %add3A_234 = arith.addf %add3A_229, %get3A_233 : vector<16xf32>
        %get3A_235 = arith.constant 19 : i32
        %get3A_236 = arith.index_cast %get3A_235 : i32 to index
        %get3A_237 = arith.index_cast %mul3A_99 : i32 to index
        %get3A_238 = tpu.vector_load %arg7[%get3A_236, %get3A_237] {strides = array<i32>} : memref<40x1024xf32, #tpu.memory_space<vmem>>, vector<16xf32>,
        %add3A_239 = arith.addf %add3A_234, %get3A_238 : vector<16xf32>
        %sub3A_240 = arith.subf %mul3A_103, %add3A_239 : vector<16xf32>
        %neg3A_241 = arith.constant 0.000000e+00 : f32
        %neg3A_242 = vector.broadcast %neg3A_241 : f32 to vector<16xf32>
        %neg3A_243 = arith.subf %neg3A_242, %sub3A_240 : vector<16xf32>
        %exp3A_244 = math.exp %neg3A_243 : vector<16xf32>
        %add3A_245 = arith.constant 1.000000e+00 : f32
        %add3A_246 = vector.broadcast %add3A_245 : f32 to vector<16xf32>
        %add3A_247 = arith.addf %add3A_246, %exp3A_244 : vector<16xf32>
        %div3A_248 = arith.constant 1.000000e+00 : f32
        %div3A_249 = vector.broadcast %div3A_248 : f32 to vector<16xf32>
        %div3A_250 = arith.divf %div3A_249, %add3A_247 : vector<16xf32>
        %swap3A_251 = arith.constant 3 : i32
        %swap3A_252 = arith.index_cast %swap3A_251 : i32 to index
        %swap3A_253 = arith.index_cast %mul3A_99 : i32 to index
        %swap3A_254 = tpu.vector_load %arg9[%swap3A_252, %swap3A_253] {strides = array<i32>} : memref<8x1024xf32, #tpu.memory_space<vmem>>, vector<16xf32>,
        tpu.vector_store %arg9[%swap3A_252, %swap3A_253], %div3A_250 {strides = array<i32>} : memref<8x1024xf32, #tpu.memory_space<vmem>>, vector<16xf32>,
        %get3A_255 = arith.constant 20 : i32
        %get3A_256 = arith.index_cast %get3A_255 : i32 to index
        %get3A_257 = arith.index_cast %mul3A_99 : i32 to index
        %get3A_258 = tpu.vector_load %arg7[%get3A_256, %get3A_257] {strides = array<i32>} : memref<40x1024xf32, #tpu.memory_space<vmem>>, vector<16xf32>,
        %get3A_259 = arith.constant 21 : i32
        %get3A_260 = arith.index_cast %get3A_259 : i32 to index
        %get3A_261 = arith.index_cast %mul3A_99 : i32 to index
        %get3A_262 = tpu.vector_load %arg7[%get3A_260, %get3A_261] {strides = array<i32>} : memref<40x1024xf32, #tpu.memory_space<vmem>>, vector<16xf32>,
        %add3A_263 = arith.addf %get3A_258, %get3A_262 : vector<16xf32>
        %get3A_264 = arith.constant 22 : i32
        %get3A_265 = arith.index_cast %get3A_264 : i32 to index
        %get3A_266 = arith.index_cast %mul3A_99 : i32 to index
        %get3A_267 = tpu.vector_load %arg7[%get3A_265, %get3A_266] {strides = array<i32>} : memref<40x1024xf32, #tpu.memory_space<vmem>>, vector<16xf32>,
        %add3A_268 = arith.addf %add3A_263, %get3A_267 : vector<16xf32>
        %get3A_269 = arith.constant 23 : i32
        %get3A_270 = arith.index_cast %get3A_269 : i32 to index
        %get3A_271 = arith.index_cast %mul3A_99 : i32 to index
        %get3A_272 = tpu.vector_load %arg7[%get3A_270, %get3A_271] {strides = array<i32>} : memref<40x1024xf32, #tpu.memory_space<vmem>>, vector<16xf32>,
        %add3A_273 = arith.addf %add3A_268, %get3A_272 : vector<16xf32>
        %get3A_274 = arith.constant 24 : i32
        %get3A_275 = arith.index_cast %get3A_274 : i32 to index
        %get3A_276 = arith.index_cast %mul3A_99 : i32 to index
        %get3A_277 = tpu.vector_load %arg7[%get3A_275, %get3A_276] {strides = array<i32>} : memref<40x1024xf32, #tpu.memory_space<vmem>>, vector<16xf32>,
        %add3A_278 = arith.addf %add3A_273, %get3A_277 : vector<16xf32>
        %sub3A_279 = arith.subf %mul3A_103, %add3A_278 : vector<16xf32>
        %neg3A_280 = arith.constant 0.000000e+00 : f32
        %neg3A_281 = vector.broadcast %neg3A_280 : f32 to vector<16xf32>
        %neg3A_282 = arith.subf %neg3A_281, %sub3A_279 : vector<16xf32>
        %exp3A_283 = math.exp %neg3A_282 : vector<16xf32>
        %add3A_284 = arith.constant 1.000000e+00 : f32
        %add3A_285 = vector.broadcast %add3A_284 : f32 to vector<16xf32>
        %add3A_286 = arith.addf %add3A_285, %exp3A_283 : vector<16xf32>
        %div3A_287 = arith.constant 1.000000e+00 : f32
        %div3A_288 = vector.broadcast %div3A_287 : f32 to vector<16xf32>
        %div3A_289 = arith.divf %div3A_288, %add3A_286 : vector<16xf32>
        %swap3A_290 = arith.constant 4 : i32
        %swap3A_291 = arith.index_cast %swap3A_290 : i32 to index
        %swap3A_292 = arith.index_cast %mul3A_99 : i32 to index
        %swap3A_293 = tpu.vector_load %arg9[%swap3A_291, %swap3A_292] {strides = array<i32>} : memref<8x1024xf32, #tpu.memory_space<vmem>>, vector<16xf32>,
        tpu.vector_store %arg9[%swap3A_291, %swap3A_292], %div3A_289 {strides = array<i32>} : memref<8x1024xf32, #tpu.memory_space<vmem>>, vector<16xf32>,
        %get3A_294 = arith.constant 25 : i32
        %get3A_295 = arith.index_cast %get3A_294 : i32 to index
        %get3A_296 = arith.index_cast %mul3A_99 : i32 to index
        %get3A_297 = tpu.vector_load %arg7[%get3A_295, %get3A_296] {strides = array<i32>} : memref<40x1024xf32, #tpu.memory_space<vmem>>, vector<16xf32>,
        %get3A_298 = arith.constant 26 : i32
        %get3A_299 = arith.index_cast %get3A_298 : i32 to index
        %get3A_300 = arith.index_cast %mul3A_99 : i32 to index
        %get3A_301 = tpu.vector_load %arg7[%get3A_299, %get3A_300] {strides = array<i32>} : memref<40x1024xf32, #tpu.memory_space<vmem>>, vector<16xf32>,
        %add3A_302 = arith.addf %get3A_297, %get3A_301 : vector<16xf32>
        %get3A_303 = arith.constant 27 : i32
        %get3A_304 = arith.index_cast %get3A_303 : i32 to index
        %get3A_305 = arith.index_cast %mul3A_99 : i32 to index
        %get3A_306 = tpu.vector_load %arg7[%get3A_304, %get3A_305] {strides = array<i32>} : memref<40x1024xf32, #tpu.memory_space<vmem>>, vector<16xf32>,
        %add3A_307 = arith.addf %add3A_302, %get3A_306 : vector<16xf32>
        %get3A_308 = arith.constant 28 : i32
        %get3A_309 = arith.index_cast %get3A_308 : i32 to index
        %get3A_310 = arith.index_cast %mul3A_99 : i32 to index
        %get3A_311 = tpu.vector_load %arg7[%get3A_309, %get3A_310] {strides = array<i32>} : memref<40x1024xf32, #tpu.memory_space<vmem>>, vector<16xf32>,
        %add3A_312 = arith.addf %add3A_307, %get3A_311 : vector<16xf32>
        %get3A_313 = arith.constant 29 : i32
        %get3A_314 = arith.index_cast %get3A_313 : i32 to index
        %get3A_315 = arith.index_cast %mul3A_99 : i32 to index
        %get3A_316 = tpu.vector_load %arg7[%get3A_314, %get3A_315] {strides = array<i32>} : memref<40x1024xf32, #tpu.memory_space<vmem>>, vector<16xf32>,
        %add3A_317 = arith.addf %add3A_312, %get3A_316 : vector<16xf32>
        %sub3A_318 = arith.subf %mul3A_103, %add3A_317 : vector<16xf32>
        %neg3A_319 = arith.constant 0.000000e+00 : f32
        %neg3A_320 = vector.broadcast %neg3A_319 : f32 to vector<16xf32>
        %neg3A_321 = arith.subf %neg3A_320, %sub3A_318 : vector<16xf32>
        %exp3A_322 = math.exp %neg3A_321 : vector<16xf32>
        %add3A_323 = arith.constant 1.000000e+00 : f32
        %add3A_324 = vector.broadcast %add3A_323 : f32 to vector<16xf32>
        %add3A_325 = arith.addf %add3A_324, %exp3A_322 : vector<16xf32>
        %div3A_326 = arith.constant 1.000000e+00 : f32
        %div3A_327 = vector.broadcast %div3A_326 : f32 to vector<16xf32>
        %div3A_328 = arith.divf %div3A_327, %add3A_325 : vector<16xf32>
        %swap3A_329 = arith.constant 5 : i32
        %swap3A_330 = arith.index_cast %swap3A_329 : i32 to index
        %swap3A_331 = arith.index_cast %mul3A_99 : i32 to index
        %swap3A_332 = tpu.vector_load %arg9[%swap3A_330, %swap3A_331] {strides = array<i32>} : memref<8x1024xf32, #tpu.memory_space<vmem>>, vector<16xf32>,
        tpu.vector_store %arg9[%swap3A_330, %swap3A_331], %div3A_328 {strides = array<i32>} : memref<8x1024xf32, #tpu.memory_space<vmem>>, vector<16xf32>,
        %get3A_333 = arith.constant 30 : i32
        %get3A_334 = arith.index_cast %get3A_333 : i32 to index
        %get3A_335 = arith.index_cast %mul3A_99 : i32 to index
        %get3A_336 = tpu.vector_load %arg7[%get3A_334, %get3A_335] {strides = array<i32>} : memref<40x1024xf32, #tpu.memory_space<vmem>>, vector<16xf32>,
        %get3A_337 = arith.constant 31 : i32
        %get3A_338 = arith.index_cast %get3A_337 : i32 to index
        %get3A_339 = arith.index_cast %mul3A_99 : i32 to index
        %get3A_340 = tpu.vector_load %arg7[%get3A_338, %get3A_339] {strides = array<i32>} : memref<40x1024xf32, #tpu.memory_space<vmem>>, vector<16xf32>,
        %add3A_341 = arith.addf %get3A_336, %get3A_340 : vector<16xf32>
        %get3A_342 = arith.constant 32 : i32
        %get3A_343 = arith.index_cast %get3A_342 : i32 to index
        %get3A_344 = arith.index_cast %mul3A_99 : i32 to index
        %get3A_345 = tpu.vector_load %arg7[%get3A_343, %get3A_344] {strides = array<i32>} : memref<40x1024xf32, #tpu.memory_space<vmem>>, vector<16xf32>,
        %add3A_346 = arith.addf %add3A_341, %get3A_345 : vector<16xf32>
        %get3A_347 = arith.constant 33 : i32
        %get3A_348 = arith.index_cast %get3A_347 : i32 to index
        %get3A_349 = arith.index_cast %mul3A_99 : i32 to index
        %get3A_350 = tpu.vector_load %arg7[%get3A_348, %get3A_349] {strides = array<i32>} : memref<40x1024xf32, #tpu.memory_space<vmem>>, vector<16xf32>,
        %add3A_351 = arith.addf %add3A_346, %get3A_350 : vector<16xf32>
        %get3A_352 = arith.constant 34 : i32
        %get3A_353 = arith.index_cast %get3A_352 : i32 to index
        %get3A_354 = arith.index_cast %mul3A_99 : i32 to index
        %get3A_355 = tpu.vector_load %arg7[%get3A_353, %get3A_354] {strides = array<i32>} : memref<40x1024xf32, #tpu.memory_space<vmem>>, vector<16xf32>,
        %add3A_356 = arith.addf %add3A_351, %get3A_355 : vector<16xf32>
        %sub3A_357 = arith.subf %mul3A_103, %add3A_356 : vector<16xf32>
        %neg3A_358 = arith.constant 0.000000e+00 : f32
        %neg3A_359 = vector.broadcast %neg3A_358 : f32 to vector<16xf32>
        %neg3A_360 = arith.subf %neg3A_359, %sub3A_357 : vector<16xf32>
        %exp3A_361 = math.exp %neg3A_360 : vector<16xf32>
        %add3A_362 = arith.constant 1.000000e+00 : f32
        %add3A_363 = vector.broadcast %add3A_362 : f32 to vector<16xf32>
        %add3A_364 = arith.addf %add3A_363, %exp3A_361 : vector<16xf32>
        %div3A_365 = arith.constant 1.000000e+00 : f32
        %div3A_366 = vector.broadcast %div3A_365 : f32 to vector<16xf32>
        %div3A_367 = arith.divf %div3A_366, %add3A_364 : vector<16xf32>
        %swap3A_368 = arith.constant 6 : i32
        %swap3A_369 = arith.index_cast %swap3A_368 : i32 to index
        %swap3A_370 = arith.index_cast %mul3A_99 : i32 to index
        %swap3A_371 = tpu.vector_load %arg9[%swap3A_369, %swap3A_370] {strides = array<i32>} : memref<8x1024xf32, #tpu.memory_space<vmem>>, vector<16xf32>,
        tpu.vector_store %arg9[%swap3A_369, %swap3A_370], %div3A_367 {strides = array<i32>} : memref<8x1024xf32, #tpu.memory_space<vmem>>, vector<16xf32>,
        %get3A_372 = arith.constant 35 : i32
        %get3A_373 = arith.index_cast %get3A_372 : i32 to index
        %get3A_374 = arith.index_cast %mul3A_99 : i32 to index
        %get3A_375 = tpu.vector_load %arg7[%get3A_373, %get3A_374] {strides = array<i32>} : memref<40x1024xf32, #tpu.memory_space<vmem>>, vector<16xf32>,
        %get3A_376 = arith.constant 36 : i32
        %get3A_377 = arith.index_cast %get3A_376 : i32 to index
        %get3A_378 = arith.index_cast %mul3A_99 : i32 to index
        %get3A_379 = tpu.vector_load %arg7[%get3A_377, %get3A_378] {strides = array<i32>} : memref<40x1024xf32, #tpu.memory_space<vmem>>, vector<16xf32>,
        %add3A_380 = arith.addf %get3A_375, %get3A_379 : vector<16xf32>
        %get3A_381 = arith.constant 37 : i32
        %get3A_382 = arith.index_cast %get3A_381 : i32 to index
        %get3A_383 = arith.index_cast %mul3A_99 : i32 to index
        %get3A_384 = tpu.vector_load %arg7[%get3A_382, %get3A_383] {strides = array<i32>} : memref<40x1024xf32, #tpu.memory_space<vmem>>, vector<16xf32>,
        %add3A_385 = arith.addf %add3A_380, %get3A_384 : vector<16xf32>
        %get3A_386 = arith.constant 38 : i32
        %get3A_387 = arith.index_cast %get3A_386 : i32 to index
        %get3A_388 = arith.index_cast %mul3A_99 : i32 to index
        %get3A_389 = tpu.vector_load %arg7[%get3A_387, %get3A_388] {strides = array<i32>} : memref<40x1024xf32, #tpu.memory_space<vmem>>, vector<16xf32>,
        %add3A_390 = arith.addf %add3A_385, %get3A_389 : vector<16xf32>
        %get3A_391 = arith.constant 39 : i32
        %get3A_392 = arith.index_cast %get3A_391 : i32 to index
        %get3A_393 = arith.index_cast %mul3A_99 : i32 to index
        %get3A_394 = tpu.vector_load %arg7[%get3A_392, %get3A_393] {strides = array<i32>} : memref<40x1024xf32, #tpu.memory_space<vmem>>, vector<16xf32>,
        %add3A_395 = arith.addf %add3A_390, %get3A_394 : vector<16xf32>
        %sub3A_396 = arith.subf %mul3A_103, %add3A_395 : vector<16xf32>
        %neg3A_397 = arith.constant 0.000000e+00 : f32
        %neg3A_398 = vector.broadcast %neg3A_397 : f32 to vector<16xf32>
        %neg3A_399 = arith.subf %neg3A_398, %sub3A_396 : vector<16xf32>
        %exp3A_400 = math.exp %neg3A_399 : vector<16xf32>
        %add3A_401 = arith.constant 1.000000e+00 : f32
        %add3A_402 = vector.broadcast %add3A_401 : f32 to vector<16xf32>
        %add3A_403 = arith.addf %add3A_402, %exp3A_400 : vector<16xf32>
        %div3A_404 = arith.constant 1.000000e+00 : f32
        %div3A_405 = vector.broadcast %div3A_404 : f32 to vector<16xf32>
        %div3A_406 = arith.divf %div3A_405, %add3A_403 : vector<16xf32>
        %swap3A_407 = arith.constant 7 : i32
        %swap3A_408 = arith.index_cast %swap3A_407 : i32 to index
        %swap3A_409 = arith.index_cast %mul3A_99 : i32 to index
        %swap3A_410 = tpu.vector_load %arg9[%swap3A_408, %swap3A_409] {strides = array<i32>} : memref<8x1024xf32, #tpu.memory_space<vmem>>, vector<16xf32>,
        tpu.vector_store %arg9[%swap3A_408, %swap3A_409], %div3A_406 {strides = array<i32>} : memref<8x1024xf32, #tpu.memory_space<vmem>>, vector<16xf32>,
      }
      %scan3A_82 = arith.constant 64 : i32
      %add3A_83 = arith.constant 2 : i32
      %add3A_84 = arith.addi %add3A_65, %add3A_83 : i32
      %lt3A_85 = arith.constant 16 : i32
      %lt3A_86 = arith.cmpi slt, %add3A_84, %lt3A_85 : i32
      %convert_element_type3A_87 = arith.extui %lt3A_86 : i1 to i32
      %cond3A_88 = arith.constant 0 : i32
      %cond3A_89 = arith.cmpi ne, %convert_element_type3A_87, %cond3A_88 : i32
      scf.if %cond3A_89 {
        %add3A_97 = arith.constant 2 : i32
        %add3A_98 = arith.addi %add3A_65, %add3A_97 : i32
        %mul3A_99 = arith.constant 40 : i32
        %mul3A_100 = arith.muli %add3A_98, %mul3A_99 : i32
        %dma_start3A_101 = tpu.memref_slice %arg10[%mul3A_100] : memref<640xi32, #tpu.memory_space<vmem>> -> memref<40xi32, #tpu.memory_space<vmem>>
        %dma_start3A_102 = arith.constant 0 : i32
        %dma_start3A_103 = arith.constant 0 : i32
        %dma_start3A_104 = tpu.memref_slice %arg2[%dma_start3A_102, %dma_start3A_103] : memref<100000x1024xf32, #tpu.memory_space<hbm>> -> memref<100000x1024xf32, #tpu.memory_space<hbm>>
        tpu.enqueue_indirect_dma source(%dma_start3A_104 : memref<100000x1024xf32, #tpu.memory_space<hbm>>) target(%arg7 : memref<40x1024xf32, #tpu.memory_space<vmem>>) offsets(%dma_start3A_101 : memref<40xi32, #tpu.memory_space<vmem>>) semaphore(%arg13 : memref<!tpu.dma_semaphore, #tpu.memory_space<semaphore_mem>>)
      } else {
      }
      %mul3A_90 = arith.constant 8 : i32
      %mul3A_91 = arith.muli %add3A_65, %mul3A_90 : i32
      %add3A_92 = arith.addi %mul3A_4, %mul3A_91 : i32
      %dma_start3A_93 = arith.constant 0 : i32
      %dma_start3A_94 = tpu.memref_slice %arg5[%add3A_92, %dma_start3A_93] : memref<4096x1024xf32, #tpu.memory_space<hbm>> -> memref<8x1024xf32, #tpu.memory_space<hbm>>
      %dma_start3A_95 = arith.constant 0 : i32
      %dma_start3A_96 = tpu.memref_slice %arg5[%add3A_92, %dma_start3A_95] : memref<4096x1024xf32, #tpu.memory_space<hbm>> -> memref<8x1024xf32, #tpu.memory_space<hbm>>
      tpu.enqueue_dma source(%arg9 : memref<8x1024xf32, #tpu.memory_space<vmem>>) target(%dma_start3A_96 : memref<8x1024xf32, #tpu.memory_space<hbm>>) target_semaphore(%arg15 : memref<!tpu.dma_semaphore, #tpu.memory_space<semaphore_mem>>)
    }
    %scan3A_18 = arith.constant 8 : i32
    %dma_wait3A = arith.constant 0 : i32
    %dma_wait3A_19 = arith.constant 0 : i32
    %dma_wait3A_20 = tpu.memref_slice %arg5[%dma_wait3A, %dma_wait3A_19] : memref<4096x1024xf32, #tpu.memory_space<hbm>> -> memref<8x1024xf32, #tpu.memory_space<hbm>>
    %dma_wait3A_21 = arith.constant 0 : i32
    %dma_wait3A_22 = arith.constant 0 : i32
    %dma_wait3A_23 = tpu.memref_slice %arg5[%dma_wait3A_21, %dma_wait3A_22] : memref<4096x1024xf32, #tpu.memory_space<hbm>> -> memref<8x1024xf32, #tpu.memory_space<hbm>>
    tpu.wait_dma2 semaphore(%arg14 : memref<!tpu.dma_semaphore, #tpu.memory_space<semaphore_mem>>) src(%arg8 : memref<8x1024xf32, #tpu.memory_space<vmem>>) dst(%dma_wait3A_23 : memref<8x1024xf32, #tpu.memory_space<hbm>>)
    %dma_wait3A_24 = arith.constant 0 : i32
    %dma_wait3A_25 = arith.constant 0 : i32
    %dma_wait3A_26 = tpu.memref_slice %arg5[%dma_wait3A_24, %dma_wait3A_25] : memref<4096x1024xf32, #tpu.memory_space<hbm>> -> memref<8x1024xf32, #tpu.memory_space<hbm>>
    %dma_wait3A_27 = arith.constant 0 : i32
    %dma_wait3A_28 = arith.constant 0 : i32
    %dma_wait3A_29 = tpu.memref_slice %arg5[%dma_wait3A_27, %dma_wait3A_28] : memref<4096x1024xf32, #tpu.memory_space<hbm>> -> memref<8x1024xf32, #tpu.memory_space<hbm>>
    tpu.wait_dma2 semaphore(%arg15 : memref<!tpu.dma_semaphore, #tpu.memory_space<semaphore_mem>>) src(%arg9 : memref<8x1024xf32, #tpu.memory_space<vmem>>) dst(%dma_wait3A_29 : memref<8x1024xf32, #tpu.memory_space<hbm>>)
    return
  }
}

</mosaic_0001>

<sc_bundles>
// kernel: _sc_call.3.cloned.1.call-start
scs
__scs_entry_jumppad:
0x0: {  	(pc) =	sbr.rel $0x88, $3  }
0x1: {  	(tag) =	ssettag $0x0;
	lr =	simm.s32 $0x1  }
0x2: {  	[smem:$0x3F9E] =	sst lr;
	_ =	strace $0xD0000000  }
0x3: {  	_ = 	snop  }
0x4: {  	_ = 	snop  }
0x5: {  	_ = 	snop  }
0x6: {  	_ = 	snop  }
0x7: {  	_ = 	snop  }
__scs_overlays_trampoline_lowered:
0x8: {  	[smem:$0x3FAD] =	sst s0  }
0x9: {  	[smem:$0x3FAE] =	sst s1  }
0xa: {  	[smem:$0x3FAF] =	sst s2  }
0xb: {  	[smem:$0x3FB0] =	sst s3  }
0xc: {  	[smem:$0x3FB1] =	sst s4  }
0xd: {  	[smem:$0x3FB2] =	sst s5  }
0xe: {  	[smem:$0x3FB3] =	sst s6  }
0xf: {  	[smem:$0x3FB4] =	sst s7  }
0x10: {  	[smem:$0x3FB5] =	sst s8  }
0x11: {  	[smem:$0x3FB6] =	sst s9;
	s0 =	simm.s32 @!p0 $0x0  }
0x12: {  	s1 =	sld [smem:$0x3F9C];
	s0 =	simm.s32 @p0 $0x1  }
0x13: {  	[smem:$0x3FB7] =	sst s0;
	s0 =	simm.s32 @!p1 $0x0  }
0x14: {  	s2 =	sld [smem:$0x3F9B];
	s0 =	simm.s32 @p1 $0x1  }
0x15: {  	[smem:$0x3FB8] =	sst s0;
	s0 =	simm.s32 @!p2 $0x0  }
0x16: {  	s3 =	sld [smem:$0x3FDB];
	s0 =	simm.s32 @p2 $0x1  }
0x17: {  	s4 =	simm.s32 $0x1BF5;
	[smem:$0x3FBA] =	sst s0  }
0x18: {  	s0 =	sld [smem:$0x3F9D];
	_ =	swait.ge [sflag:s4], $0x0  }
0x19: {  	s7 =	sld [smem:$0x3F9E]  }
0x1a: {  	s8 =	sadd.s32 $0xFFFFE003, lr  }
0x1b: {  	s9 =	sadd.s32 $0xFFFFFEF7, lr;
	s5 =	simm.s32 $0xFFFFFFFF;
	p2 =	slt.u32 s8, $0xFFFFF086  }
0x1c: {  	p1 =	slt.u32 s9, $0xF7A;
	s5 =	simm.s32 @!p2 $0x0  }
0x1d: {  	s5 =	simm.s32 @p1 $0x1;
	p0 =	seq.s32 s7, s2  }
0x1e: {  	s7 =	smul.u32 @!p0 $0xF7A, s2;
	p2 =	seq.s32 @!p0 s5, $0x0  }
0x1f: {  	s9 =	smul.u32 $0xF7A, s1;
	s8 =	simm.s32 @!p0 $0x1BF5;
	p2 =	por !p2, p0  }
0x20: {  	[sflag:s8] =	ssyncset.s32 @!p0 $0xFFFFF086;
	s6 =	sadd.s32 @!p0 s3, s7;
	s7 =	simm.s32 @!p0 $0x108  }
0x21: {  	s3 =	sadd.s32 s3, s9;
	s6 =	sadd.s32 @!p0 $0x88, s6;
	s7 =	simm.s32 @p2 $0x1082  }
0x22: {  	[simem:s7], [sflag:s8] =	dma.local @!p0 [hbm:s6], $0xF7A  }
0x23: {  	s9 =	sor.u32 $0xD0000000, s2;
	s6 =	simm.s32 $0x108;
	_ =	swait.ge @!p0 [sflag:s8], $0x0  }
0x24: {  	s3 =	sadd.s32 $0x88, s3;
	s6 =	simm.s32 @!p1 $0x1082;
	[sflag:s4] =	ssyncset.s32 $0xFFFFF086  }
0x25: {  	[simem:s6], [sflag:s4] =	dma.local [hbm:s3], $0xF7A  }
0x26: {  	[smem:$0x3F9E] =	sst s1;
	(tag) =	ssettag s2;
	_ =	strace s9  }
0x27: {  	s1 =	sld [smem:$0x3FAE]  }
0x28: {  	s2 =	sld [smem:$0x3FAF]  }
0x29: {  	s4 =	sld [smem:$0x3FB1]  }
0x2a: {  	p0 =	seq.s32 s5, $0x0;
	s5 =	sld [smem:$0x3FB2]  }
0x2b: {  	s6 =	sld [smem:$0x3FB3]  }
0x2c: {  	s7 =	sld [smem:$0x3FB4]  }
0x2d: {  	s3 =	simm.s32 $0x108;
	s8 =	sld [smem:$0x3FB5]  }
0x2e: {  	s3 =	simm.s32 @!p0 $0x1082;
	s9 =	sld [smem:$0x3FB6]  }
0x2f: {  	lr =	sadd.s32 s0, s3;
	s0 =	sld [smem:$0x3FAD]  }
0x30: {  	s3 =	sld [smem:$0x3FB0]  }
0x31: {  	[smem:$0x3FB9] =	sst s10  }
0x32: {  	s10 =	sld [smem:$0x3FB7];
	_ =	sdelay $0x3  }
0x33: {  	p0 =	seq.s32 s10, $0x1;
	s10 =	sld [smem:$0x3FB9];
	_ =	sdelay $0x3  }
0x34: {  	[smem:$0x3FB9] =	sst s10  }
0x35: {  	s10 =	sld [smem:$0x3FB8];
	_ =	sdelay $0x3  }
0x36: {  	p1 =	seq.s32 s10, $0x1;
	s10 =	sld [smem:$0x3FB9];
	_ =	sdelay $0x3  }
0x37: {  	[smem:$0x3FB9] =	sst s10  }
0x38: {  	s10 =	sld [smem:$0x3FBA]  }
0x39: {  	_ = 	snop;
	(pc) =	sbr.ind lr, $3  }
0x3a: {  	_ = 	snop  }
0x3b: {  	_ = 	snop  }
0x3c: {  	p2 =	seq.s32 s10, $0x1;
	s10 =	sld [smem:$0x3FB9]  }
0x3d: {  	_ =	shalt  }
0x3e: {  	_ =	shalt  }
0x3f: {  	_ =	shalt  }
0x40: {  	_ =	shalt  }
0x41: {  	_ =	shalt  }
0x42: {  	_ =	shalt  }
0x43: {  	_ =	shalt  }
0x44: {  	_ =	shalt  }
0x45: {  	_ =	shalt  }
0x46: {  	_ =	shalt  }
0x47: {  	_ =	shalt  }
0x48: {  	_ =	shalt  }
0x49: {  	_ =	shalt  }
0x4a: {  	_ =	shalt  }
0x4b: {  	_ =	shalt  }
0x4c: {  	_ =	shalt  }
0x4d: {  	_ =	shalt  }
0x4e: {  	_ =	shalt  }
0x4f: {  	_ =	shalt  }
0x50: {  	_ =	shalt  }
0x51: {  	_ =	shalt  }
0x52: {  	_ =	shalt  }
0x53: {  	_ =	shalt  }
0x54: {  	_ =	shalt  }
0x55: {  	_ =	shalt  }
0x56: {  	_ =	shalt  }
0x57: {  	_ =	shalt  }
0x58: {  	_ =	shalt  }
0x59: {  	_ =	shalt  }
0x5a: {  	_ =	shalt  }
0x5b: {  	_ =	shalt  }
0x5c: {  	_ =	shalt  }
0x5d: {  	_ =	shalt  }
0x5e: {  	_ =	shalt  }
0x5f: {  	_ =	shalt  }
0x60: {  	_ =	shalt  }
0x61: {  	_ =	shalt  }
0x62: {  	_ =	shalt  }
0x63: {  	_ =	shalt  }
0x64: {  	_ =	shalt  }
0x65: {  	_ =	shalt  }
0x66: {  	_ =	shalt  }
0x67: {  	_ =	shalt  }
0x68: {  	_ =	shalt  }
0x69: {  	_ =	shalt  }
0x6a: {  	_ =	shalt  }
0x6b: {  	_ =	shalt  }
0x6c: {  	_ =	shalt  }
0x6d: {  	_ =	shalt  }
0x6e: {  	_ =	shalt  }
0x6f: {  	_ =	shalt  }
0x70: {  	_ =	shalt  }
0x71: {  	_ =	shalt  }
0x72: {  	_ =	shalt  }
0x73: {  	_ =	shalt  }
0x74: {  	_ =	shalt  }
0x75: {  	_ =	shalt  }
0x76: {  	_ =	shalt  }
0x77: {  	_ =	shalt  }
0x78: {  	_ =	shalt  }
0x79: {  	_ =	shalt  }
0x7a: {  	_ =	shalt  }
0x7b: {  	_ =	shalt  }
0x7c: {  	_ =	shalt  }
0x7d: {  	_ =	shalt  }
0x7e: {  	_ =	shalt  }
0x7f: {  	_ =	shalt  }
0x80: {  	_ =	shalt  }
0x81: {  	_ =	shalt  }
0x82: {  	_ =	shalt  }
0x83: {  	_ =	shalt  }
0x84: {  	_ =	shalt  }
0x85: {  	_ =	shalt  }
0x86: {  	_ =	shalt  }
0x87: {  	_ =	shalt  }
.Lfunc_end0:
.L_simem_size_0:
called_computation_lowered:
.L_overlay_start_0:
0x88: {  	s2 =	sld [smem:$0x3FD9]  }
0x89: {  	s3 =	sld [smem:$0x3FFE];
	_ =	sdelay $0x1  }
0x8a: {  	s1 =	srdreg.scid  }
0x8b: {  	s0 =	sand.u32 $0x1, s1  }
0x8c: {  	s18 =	sshll.u32 s0, $0xA;
	s2 =	sadd.s32 s3, s2  }
0x8d: {  	s2 =	sadd.s32 s2, s18  }
0x8e: {  	[smem:$0x3FC5] =	sst s2  }
0x8f: {  	_ = 	snop  }
0x90: {  	s2 =	sld [smem:$0x3FC9]  }
0x91: {  	s19 =	sld [smem:$0x3FC8]  }
0x92: {  	s4 =	sld [smem:$0x3FC7]  }
0x93: {  	s5 =	sld [smem:$0x3FD0];
	(tm) =	ssettm $0x1  }
0x94: {  	s6 =	sld [smem:$0x3FFB];
	_ =	sdelay $0x3  }
0x95: {  	_ =	strace s6  }
0x96: {  	s6 =	sld [smem:$0x3FFC];
	_ =	sdelay $0x3  }
0x97: {  	_ =	strace s6  }
0x98: {  	s6 =	sld [smem:$0x3FFD];
	_ =	sdelay $0x3  }
0x99: {  	_ =	strace s6  }
0x9a: {  	_ =	strace $0x8FFFFFFF  }
0x9b: {  	s20 =	sld [smem:$0x3FDB];
	_ =	sdelay $0x1  }
0x9c: {  	s7 =	simm.s32 $_scs_section_size  }
0x9d: {  	s8 =	simm.s32 $_size__tile_overlayer_lowered;
	s9 =	simm.s32 $_tile_overlayer_lowered  }
0x9e: {  	s23 =	simm.s32 $0x1BFF;
	s22 =	sshll.u32 s9, $0x1;
	s6 =	sadd.s32 s7, s20  }
0x9f: {  	s10 =	simm.s32 $0x0;
	s21 =	sshll.u32 s8, $0x1;
	s8 =	sadd.s32 s22, s6  }
0xa0: {  	[timem:s10], [sflag:s23] =	dma.local [hbm:s8], s21  }
0xa1: {  	_ =	swait.ge [sflag:s23], s21  }
0xa2: {  	s7 =	ssub.s32 $0x0, s21;
	[sflag:s23] =	ssyncset.done $0x0  }
0xa3: {  	[sflag:s23] =	ssyncadd.s32 s7;
	_ =	sdelay $0x1  }
0xa4: {  	s24 =	simm.s32 $0x1B8B  }
0xa5: {  	_ =	swait.ge [sflag:s24], $0x1  }
0xa6: {  	[sflag:s24] =	ssyncset.done $0x0  }
0xa7: {  	s25 =	simm.s32 $0x1B8E;
	[sflag:s24] =	ssyncadd.s32 $0xFFFFFFFF  }
0xa8: {  	s26 =	simm.s32 $execute0_lowered;
	[smem:$0x3FD2] =	sst s25  }
0xa9: {  	s7 =	sshll.u32 s26, $0x1;
	_ =	strace $0x80000046;
	[dreg:$0x1] =	wrdreg $0xFFFFFFFF  }
0xaa: {  	s28 =	simm.s32 $_size_execute0_lowered;
	s6 =	sadd.s32 s6, s7;
	[dreg:$0x0] =	wrdreg $0x0  }
0xab: {  	s7 =	sshll.u32 s28, $0x1;
	[dreg:$0x2] =	wrdreg s6  }
0xac: {  	[dreg:$0x3] =	wrdreg s7  }
0xad: {  	[dreg:$0x4] =	wrdreg $0xC0  }
0xae: {  	_ =	task [dreg:s10], $0x5FFFF  }
0xaf: {  	[dreg:$0x1] =	wrdreg $0xFFFFFFFF  }
0xb0: {  	[dreg:$0x0] =	wrdreg $0x60  }
0xb1: {  	[dreg:$0x2] =	wrdreg s2  }
0xb2: {  	[dreg:$0x3] =	wrdreg s19  }
0xb3: {  	[dreg:$0x4] =	wrdreg s4  }
0xb4: {  	[dreg:$0x5] =	wrdreg s5  }
0xb5: {  	[dreg:$0x6] =	wrdreg $0x9  }
0xb6: {  	_ =	task.clear_ibuf [dreg:s10], $0x7FFFF;
	_ =	strace $0x90000046  }
0xb7: {  	s29 =	simm.s32 $0x9;
	_ =	strace $0x80000048  }
0xb8: {  	_ =	swait.ge [sflag:s29], $0x1  }
0xb9: {  	[sflag:s29] =	ssyncadd.s32 $0xFFFFFFFF  }
0xba: {  	_ =	strace $0x90000048  }
0xbb: {  	_ =	sfence  }
0xbc: {  	s30 =	sld [smem:$0x0];
	_ =	sdelay $0x2  }
0xbd: {  	s31 =	sshll.u32 s1, $0xD;
	s1 =	sshrl.u32 s1, $0x2  }
0xbe: {  	s3 =	sand.u32 $0x4000, s31;
	s1 =	sadd.s32 s1, s30  }
0xbf: {  	s0 =	sor.u32 s3, s0;
	s1 =	sshll.u32 s1, $0x11  }
0xc0: {  	s0 =	sor.u32 s1, s0  }
0xc1: {  	s0 =	sadd.s32 $0x8F2B, s0  }
0xc2: {  	[sflag:s0] =	ssyncadd.remote.s32 $0x1  }
0xc3: {  	_ =	sfence.sel $0xFFFF  }
0xc4: {  	[dreg:$0x0] =	wrdreg $0xFFFFFFFF;
	(pc) =	sbr.abs _section_cstart, $3  }
0xc5: {  	[dreg:$0x1] =	wrdreg $0xFFFFFFFF  }
0xc6: {  	_ =	task.clear_ibuf [dreg:s10], $0x2FFFF;
	_ =	strace $0x9FFFFFFF  }
0xc7: {  	(tm) =	ssettm $0x7FFFFFFF  }
tec
execute0_lowered:
.L_overlay_start_1:
0x0: {  	(tag) =	ssettag $0x1  }
0x1: {  	s1 =	rddreg [dreg:$0x0]  }
0x2: {  	s0 =	rddreg [dreg:$0x1];
	s2 =	srdreg.scid  }
0x3: {  	s4 =	stileid.u32;
	s3 =	rddreg [dreg:$0x3]  }
0x4: {  	s17 =	simm.s32 $0xE800;
	s18 =	simm.s32 $0xF000;
	s19 =	simm.s32 $0xF800  }
0x5: {  	s20 =	simm.s32 $0x10000;
	s21 =	simm.s32 $0x10800;
	s22 =	simm.s32 $0x11000  }
0x6: {  	s23 =	simm.s32 $0x11800;
	s24 =	simm.s32 $0x12000;
	s25 =	simm.s32 $0x12800  }
0x7: {  	s28 =	simm.s32 $0x13800;
	s29 =	simm.s32 $0x1;
	s30 =	simm.s32 $0x14000  }
0x8: {  	s31 =	simm.s32 $0x2;
	s2 =	sand.u32 $0x1, s2;
	s5 =	sshll.u32 s4, $0x1  }
0x9: {  	s4 =	simm.s32 $0x0;
	s8 =	sadd.s32 $0x300, s1;
	s5 =	sor.u32 s2, s5  }
0xa: {  	[smem:$0x7FF] =	sst s4;
	s2 =	ssub.s32 $0x2, s2;
	s6 =	smul.u32 $0x50, s5  }
.Ltmp0:
0xb: {  	_ =	strace $0x80000047;
	s7 =	sshrl.u32 s2, $0x1;
	(pc) =	sbr.rel .LBB2_1-.Ltmp0, $4  }
0xc: {  	s5 =	sshll.u32 s5, $0xE;
	s2 =	ssub.s32 s2, s7;
	s7 =	sadd.s32 $0x200, s1  }
0xd: {  	v2 =	vlaneseq.u32;
	s9 =	sadd.s32 s3, s5;
	s5 =	simm.s32 $0x0;
	s0 =	sadd.s32 s0, s6  }
0xe: {  	vm0 =	vmmov $0xffff;
	v1 =	vshrl.u32 v2, $0x3;
	s6 =	sadd.s32 $0x100, s1;
	s26 =	smax.u32 s2, $0x1;
	[dreg:$0x5] =	wrdreg s0  }
0xf: {  	v0 =	vand.u32 $0x7, v2;
	v2 =	vor.u32 $0x8, v2;
	v1 =	vmul.u32 $0x8, v1;
	s2 =	simm.s32 $0x16000;
	[dreg:$0x6] =	wrdreg s26;
	s26 =	simm.s32 $0x13000  }
.LBB2_11:
0x10: {  	s0 =	simm.s32 $0x3  }
0x11: {  	_ =	swait.ge [sflag:s0], $0x2000  }
0x12: {  	[sflag:s0] =	ssyncset.done $0x0  }
0x13: {  	s3 =	simm.s32 $0x4;
	[sflag:s0] =	ssyncadd.s32 $0xFFFFE000  }
0x14: {  	_ =	swait.ge [sflag:s3], $0x2000  }
0x15: {  	s5 =	rddreg [dreg:$0x7]  }
0x16: {  	s16 =	rddreg [dreg:$0x6];
	s5 =	sadd.s32 $0x1, s5  }
0x17: {  	p0 =	sne.s32 s5, s16  }
.Ltmp1:
0x18: {  	_ = 	snop;
	(pc) =	sbr.rel @!p0 .LBB2_12-.Ltmp1, $3  }
0x19: {  	_ =	sdelay $0x1  }
0x1a: {  	[sflag:s3] =	ssyncset.done $0x0  }
0x1b: {  	[sflag:s3] =	ssyncadd.s32 $0xFFFFE000  }
.LBB2_1:
0x1c: {  	[dreg:$0x7] =	wrdreg s5  }
0x1d: {  	s0 =	rddreg [dreg:$0x5];
	s3 =	simm.s32 $0x18000;
	s13 =	simm.s32 $0x5  }
0x1e: {  	[tilespmem:s3], [sflag:$0x5] =	stream.linear.gather [hbm4b:s0+s4], $0x280, $0x38;
	[tilespmem:$0x18680] =	vst v63  }
0x1f: {  	_ =	swait.ge [sflag:s13], $0x280  }
0x20: {  	[sflag:s13] =	ssyncset.done $0x0  }
0x21: {  	[sflag:s13] =	ssyncadd.s32 $0xFFFFFD80  }
0x22: {  	s15 =	simm.s32 $0x18280;
	s14 =	rddreg [dreg:$0x2]  }
0x23: {  	[tilespmem:s15], [sflag:$0x5] =	stream.linear.gather [hbm4b:s14+s4], $0x400, $0x38;
	[tilespmem:$0x18680] =	vst v63  }
0x24: {  	_ =	swait.ge [sflag:s13], $0x400  }
0x25: {  	[sflag:s13] =	ssyncset.done $0x0  }
0x26: {  	[sflag:s13] =	ssyncadd.s32 $0xFFFFFC00  }
0x27: {  	v3 =	vld [tilespmem:$0x18000];
	_ =	sdelay $0x4  }
0x28: {  	v4 =	vshll.u32 v3, $0x3  }
0x29: {  	v3 =	vand.u32 $0x7, v3;
	v4 =	vand.u32 $0xFFFFFFC0, v4  }
0x2a: {  	v3 =	vor.u32 v3, v4  }
0x2b: {  	v4 =	vperm.xlane v3, v0;
	_ =	sdelay $0x1  }
0x2c: {  	v4 =	vadd.s32 v1, v4;
	_ =	sdelay $0x4  }
0x2d: {  	[tilespmem:s4], [sflag:$0x1] =	stream.indirect_vreg.gather [hbm4b:s1+s4], $0x80, v4, vm0, $0xb8;
	[tilespmem:$0x18680] =	vst v63  }
0x2e: {  	s16 =	simm.s32 $0x800;
	v3 =	vperm.xlane v3, v2  }
0x2f: {  	[tilespmem:s16], [sflag:$0x1] =	stream.indirect_vreg.gather [hbm4b:s6+s4], $0x80, v4, vm0, $0xb8;
	[tilespmem:$0x18680] =	vst v63  }
0x30: {  	s3 =	simm.s32 $0x1000;
	v3 =	vadd.s32 v1, v3  }
0x31: {  	[tilespmem:s3], [sflag:$0x1] =	stream.indirect_vreg.gather [hbm4b:s7+s4], $0x80, v4, vm0, $0xb8;
	[tilespmem:$0x18680] =	vst v63  }
0x32: {  	s5 =	simm.s32 $0x1800  }
0x33: {  	[tilespmem:s5], [sflag:$0x1] =	stream.indirect_vreg.gather [hbm4b:s8+s4], $0x80, v4, vm0, $0xb8;
	[tilespmem:$0x18680] =	vst v63  }
0x34: {  	s10 =	simm.s32 $0x2000  }
0x35: {  	[tilespmem:s10], [sflag:$0x1] =	stream.indirect_vreg.gather [hbm4b:s1+s4], $0x80, v3, vm0, $0xb8;
	[tilespmem:$0x18680] =	vst v63  }
0x36: {  	s11 =	simm.s32 $0x2800  }
0x37: {  	[tilespmem:s11], [sflag:$0x1] =	stream.indirect_vreg.gather [hbm4b:s6+s4], $0x80, v3, vm0, $0xb8;
	[tilespmem:$0x18680] =	vst v63  }
0x38: {  	s12 =	simm.s32 $0x3000  }
0x39: {  	[tilespmem:s12], [sflag:$0x1] =	stream.indirect_vreg.gather [hbm4b:s7+s4], $0x80, v3, vm0, $0xb8;
	[tilespmem:$0x18680] =	vst v63  }
0x3a: {  	s13 =	simm.s32 $0x3800  }
0x3b: {  	[tilespmem:s13], [sflag:$0x1] =	stream.indirect_vreg.gather [hbm4b:s8+s4], $0x80, v3, vm0, $0xb8;
	[tilespmem:$0x18680] =	vst v63  }
0x3c: {  	v3 =	vld [tilespmem:$0x18010];
	_ =	sdelay $0x4  }
0x3d: {  	v59 =	vshll.u32 v3, $0x3  }
0x3e: {  	v3 =	vand.u32 $0x7, v3;
	v4 =	vand.u32 $0xFFFFFFC0, v59  }
0x3f: {  	v3 =	vor.u32 v3, v4  }
0x40: {  	v4 =	vperm.xlane v3, v0;
	_ =	sdelay $0x1  }
0x41: {  	v4 =	vadd.s32 v1, v4;
	_ =	sdelay $0x3  }
0x42: {  	s14 =	simm.s32 $0x4000  }
0x43: {  	[tilespmem:s14], [sflag:$0x1] =	stream.indirect_vreg.gather [hbm4b:s1+s4], $0x80, v4, vm0, $0xb8;
	[tilespmem:$0x18680] =	vst v63  }
0x44: {  	s15 =	simm.s32 $0x4800;
	v3 =	vperm.xlane v3, v2  }
0x45: {  	[tilespmem:s15], [sflag:$0x1] =	stream.indirect_vreg.gather [hbm4b:s6+s4], $0x80, v4, vm0, $0xb8;
	[tilespmem:$0x18680] =	vst v63  }
0x46: {  	s16 =	simm.s32 $0x5000;
	v3 =	vadd.s32 v1, v3  }
0x47: {  	[tilespmem:s16], [sflag:$0x1] =	stream.indirect_vreg.gather [hbm4b:s7+s4], $0x80, v4, vm0, $0xb8;
	[tilespmem:$0x18680] =	vst v63  }
0x48: {  	s3 =	simm.s32 $0x5800  }
0x49: {  	[tilespmem:s3], [sflag:$0x1] =	stream.indirect_vreg.gather [hbm4b:s8+s4], $0x80, v4, vm0, $0xb8;
	[tilespmem:$0x18680] =	vst v63  }
0x4a: {  	s5 =	simm.s32 $0x6000  }
0x4b: {  	[tilespmem:s5], [sflag:$0x1] =	stream.indirect_vreg.gather [hbm4b:s1+s4], $0x80, v3, vm0, $0xb8;
	[tilespmem:$0x18680] =	vst v63  }
0x4c: {  	s10 =	simm.s32 $0x6800  }
0x4d: {  	[tilespmem:s10], [sflag:$0x1] =	stream.indirect_vreg.gather [hbm4b:s6+s4], $0x80, v3, vm0, $0xb8;
	[tilespmem:$0x18680] =	vst v63  }
0x4e: {  	s11 =	simm.s32 $0x7000  }
0x4f: {  	[tilespmem:s11], [sflag:$0x1] =	stream.indirect_vreg.gather [hbm4b:s7+s4], $0x80, v3, vm0, $0xb8;
	[tilespmem:$0x18680] =	vst v63  }
0x50: {  	s12 =	simm.s32 $0x7800  }
0x51: {  	[tilespmem:s12], [sflag:$0x1] =	stream.indirect_vreg.gather [hbm4b:s8+s4], $0x80, v3, vm0, $0xb8;
	[tilespmem:$0x18680] =	vst v63  }
0x52: {  	v3 =	vld.msk [tilespmem:$0x18020], $0xff;
	_ =	sdelay $0x4  }
0x53: {  	v60 =	vshll.u32 v3, $0x3  }
0x54: {  	v3 =	vand.u32 $0x7, v3;
	v4 =	vand.u32 $0xFFFFFFC0, v60  }
0x55: {  	v3 =	vor.u32 v3, v4  }
0x56: {  	v3 =	vperm.xlane v3, v0;
	_ =	sdelay $0x1  }
0x57: {  	v3 =	vadd.s32 v1, v3;
	_ =	sdelay $0x3  }
0x58: {  	s13 =	simm.s32 $0x8000  }
0x59: {  	[tilespmem:s13], [sflag:$0x1] =	stream.indirect_vreg.gather [hbm4b:s1+s4], $0x80, v3, vm0, $0xb8;
	[tilespmem:$0x18680] =	vst v63  }
0x5a: {  	s14 =	simm.s32 $0x8800  }
0x5b: {  	[tilespmem:s14], [sflag:$0x1] =	stream.indirect_vreg.gather [hbm4b:s6+s4], $0x80, v3, vm0, $0xb8;
	[tilespmem:$0x18680] =	vst v63  }
0x5c: {  	s15 =	simm.s32 $0x9000  }
0x5d: {  	[tilespmem:s15], [sflag:$0x1] =	stream.indirect_vreg.gather [hbm4b:s7+s4], $0x80, v3, vm0, $0xb8;
	[tilespmem:$0x18680] =	vst v63  }
0x5e: {  	s16 =	simm.s32 $0x9800  }
0x5f: {  	[tilespmem:s16], [sflag:$0x1] =	stream.indirect_vreg.gather [hbm4b:s8+s4], $0x80, v3, vm0, $0xb8;
	[tilespmem:$0x18680] =	vst v63  }
0x60: {  	v3 =	vld [tilespmem:$0x18028];
	_ =	sdelay $0x4  }
0x61: {  	v61 =	vshll.u32 v3, $0x3  }
0x62: {  	v3 =	vand.u32 $0x7, v3;
	v4 =	vand.u32 $0xFFFFFFC0, v61  }
0x63: {  	v3 =	vor.u32 v3, v4  }
0x64: {  	v4 =	vperm.xlane v3, v0;
	_ =	sdelay $0x1  }
0x65: {  	v4 =	vadd.s32 v1, v4;
	_ =	sdelay $0x3  }
0x66: {  	s3 =	simm.s32 $0xA000  }
0x67: {  	[tilespmem:s3], [sflag:$0x2] =	stream.indirect_vreg.gather [hbm4b:s1+s4], $0x80, v4, vm0, $0xb8;
	[tilespmem:$0x18680] =	vst v63  }
0x68: {  	s5 =	simm.s32 $0xA800;
	v3 =	vperm.xlane v3, v2  }
0x69: {  	[tilespmem:s5], [sflag:$0x2] =	stream.indirect_vreg.gather [hbm4b:s6+s4], $0x80, v4, vm0, $0xb8;
	[tilespmem:$0x18680] =	vst v63  }
0x6a: {  	s10 =	simm.s32 $0xB000;
	v3 =	vadd.s32 v1, v3  }
0x6b: {  	[tilespmem:s10], [sflag:$0x2] =	stream.indirect_vreg.gather [hbm4b:s7+s4], $0x80, v4, vm0, $0xb8;
	[tilespmem:$0x18680] =	vst v63  }
0x6c: {  	s11 =	simm.s32 $0xB800  }
0x6d: {  	[tilespmem:s11], [sflag:$0x2] =	stream.indirect_vreg.gather [hbm4b:s8+s4], $0x80, v4, vm0, $0xb8;
	[tilespmem:$0x18680] =	vst v63  }
0x6e: {  	s12 =	simm.s32 $0xC000  }
0x6f: {  	[tilespmem:s12], [sflag:$0x2] =	stream.indirect_vreg.gather [hbm4b:s1+s4], $0x80, v3, vm0, $0xb8;
	[tilespmem:$0x18680] =	vst v63  }
0x70: {  	s13 =	simm.s32 $0xC800  }
0x71: {  	[tilespmem:s13], [sflag:$0x2] =	stream.indirect_vreg.gather [hbm4b:s6+s4], $0x80, v3, vm0, $0xb8;
	[tilespmem:$0x18680] =	vst v63  }
0x72: {  	s14 =	simm.s32 $0xD000  }
0x73: {  	[tilespmem:s14], [sflag:$0x2] =	stream.indirect_vreg.gather [hbm4b:s7+s4], $0x80, v3, vm0, $0xb8;
	[tilespmem:$0x18680] =	vst v63  }
0x74: {  	s15 =	simm.s32 $0xD800  }
0x75: {  	[tilespmem:s15], [sflag:$0x2] =	stream.indirect_vreg.gather [hbm4b:s8+s4], $0x80, v3, vm0, $0xb8;
	[tilespmem:$0x18680] =	vst v63  }
0x76: {  	v3 =	vld [tilespmem:$0x18038];
	_ =	sdelay $0x4  }
0x77: {  	v62 =	vshll.u32 v3, $0x3  }
0x78: {  	v3 =	vand.u32 $0x7, v3;
	v4 =	vand.u32 $0xFFFFFFC0, v62  }
0x79: {  	v3 =	vor.u32 v3, v4  }
0x7a: {  	v4 =	vperm.xlane v3, v0;
	_ =	sdelay $0x1  }
0x7b: {  	v4 =	vadd.s32 v1, v4;
	_ =	sdelay $0x3  }
0x7c: {  	s16 =	simm.s32 $0xE000  }
0x7d: {  	[tilespmem:s16], [sflag:$0x2] =	stream.indirect_vreg.gather [hbm4b:s1+s4], $0x80, v4, vm0, $0xb8;
	[tilespmem:$0x18680] =	vst v63  }
0x7e: {  	v3 =	vperm.xlane v3, v2  }
0x7f: {  	[tilespmem:s17], [sflag:$0x2] =	stream.indirect_vreg.gather [hbm4b:s6+s4], $0x80, v4, vm0, $0xb8;
	[tilespmem:$0x18680] =	vst v63  }
0x80: {  	v3 =	vadd.s32 v1, v3  }
0x81: {  	[tilespmem:s18], [sflag:$0x2] =	stream.indirect_vreg.gather [hbm4b:s7+s4], $0x80, v4, vm0, $0xb8;
	[tilespmem:$0x18680] =	vst v63  }
0x82: {  	_ = 	snop  }
0x83: {  	[tilespmem:s19], [sflag:$0x2] =	stream.indirect_vreg.gather [hbm4b:s8+s4], $0x80, v4, vm0, $0xb8;
	[tilespmem:$0x18680] =	vst v63  }
0x84: {  	_ = 	snop  }
0x85: {  	[tilespmem:s20], [sflag:$0x2] =	stream.indirect_vreg.gather [hbm4b:s1+s4], $0x80, v3, vm0, $0xb8;
	[tilespmem:$0x18680] =	vst v63  }
0x86: {  	_ = 	snop  }
0x87: {  	[tilespmem:s21], [sflag:$0x2] =	stream.indirect_vreg.gather [hbm4b:s6+s4], $0x80, v3, vm0, $0xb8;
	[tilespmem:$0x18680] =	vst v63  }
0x88: {  	_ = 	snop  }
0x89: {  	[tilespmem:s22], [sflag:$0x2] =	stream.indirect_vreg.gather [hbm4b:s7+s4], $0x80, v3, vm0, $0xb8;
	[tilespmem:$0x18680] =	vst v63  }
0x8a: {  	_ = 	snop  }
0x8b: {  	[tilespmem:s23], [sflag:$0x2] =	stream.indirect_vreg.gather [hbm4b:s8+s4], $0x80, v3, vm0, $0xb8;
	[tilespmem:$0x18680] =	vst v63  }
0x8c: {  	v3 =	vld.msk [tilespmem:$0x18048], $0xff;
	_ =	sdelay $0x4  }
0x8d: {  	v63 =	vshll.u32 v3, $0x3  }
0x8e: {  	v3 =	vand.u32 $0x7, v3;
	v4 =	vand.u32 $0xFFFFFFC0, v63  }
0x8f: {  	v3 =	vor.u32 v3, v4  }
0x90: {  	v3 =	vperm.xlane v3, v0;
	_ =	sdelay $0x1  }
0x91: {  	v3 =	vadd.s32 v1, v3;
	_ =	sdelay $0x4  }
0x92: {  	[tilespmem:s24], [sflag:$0x2] =	stream.indirect_vreg.gather [hbm4b:s1+s4], $0x80, v3, vm0, $0xb8;
	[tilespmem:$0x18680] =	vst v63  }
0x93: {  	_ = 	snop  }
0x94: {  	[tilespmem:s25], [sflag:$0x2] =	stream.indirect_vreg.gather [hbm4b:s6+s4], $0x80, v3, vm0, $0xb8;
	[tilespmem:$0x18680] =	vst v63  }
.Ltmp2:
0x95: {  	_ = 	snop;
	(pc) =	sbr.rel .LBB2_2-.Ltmp2, $4  }
0x96: {  	_ = 	snop  }
0x97: {  	[tilespmem:s26], [sflag:$0x2] =	stream.indirect_vreg.gather [hbm4b:s7+s4], $0x80, v3, vm0, $0xb8;
	[tilespmem:$0x18680] =	vst v63  }
0x98: {  	s0 =	simm.s32 $0x0  }
0x99: {  	[tilespmem:s28], [sflag:$0x2] =	stream.indirect_vreg.gather [hbm4b:s8+s4], $0x80, v3, vm0, $0xb8;
	[tilespmem:$0x18680] =	vst v63  }
.LBB2_10:
0x9a: {  	s0 =	sadd.s32 $0x1, s0  }
0x9b: {  	p0 =	sne.s32 s0, $0x8  }
.Ltmp3:
0x9c: {  	_ = 	snop;
	(pc) =	sbr.rel @!p0 .LBB2_11-.Ltmp3, $3  }
0x9d: {  	_ =	sdelay $0x1  }
0x9e: {  	s3 =	sadd.s32 $0x400, s3  }
0x9f: {  	[hbm4b:s3+s4] =	stream.linear.scatter [tilespmem:s2], [sflag:$0x4], $0x2000, $0x38;
	[tilespmem:$0x18680] =	vst v63  }
.LBB2_2:
0xa0: {  	_ =	swait.ge [sflag:s29], $0xA000  }
0xa1: {  	p0 =	seq.s32 s0, $0x0;
	[sflag:s29] =	ssyncset.done $0x0  }
0xa2: {  	s3 =	simm.s32 @!p0 $0x3;
	[sflag:s29] =	ssyncadd.s32 $0xFFFF6000  }
0xa3: {  	_ =	swait.ge @!p0 [sflag:s3], $0x2000  }
0xa4: {  	s11 =	simm.s32 $0x0;
	s13 =	simm.s32 $0x18280;
	[sflag:s3] =	ssyncset.done @!p0 $0x0  }
0xa5: {  	s15 =	sand.u32 $0x70, s11;
	s5 =	sand.u32 $0x1C00, s11;
	[sflag:s3] =	ssyncadd.s32 @!p0 $0xFFFFE000  }
0xa6: {  	s3 =	sor.u32 s15, s5;
	v3 =	vld [tilespmem:s13+$0x0]  }
0xa7: {  	v4 =	vld [tilespmem:s3+$0x6180]  }
0xa8: {  	v5 =	vld [tilespmem:s3+$0x6000]  }
0xa9: {  	v6 =	vld [tilespmem:s3+$0x6100]  }
0xaa: {  	v7 =	vld [tilespmem:s3+$0x6080]  }
0xab: {  	v8 =	vld [tilespmem:s3+$0x4380]  }
0xac: {  	v9 =	vld [tilespmem:s3+$0x4300]  }
0xad: {  	v10 =	vld [tilespmem:s3+$0x4100]  }
0xae: {  	v11 =	vld [tilespmem:s3+$0x4200]  }
0xaf: {  	v12 =	vld [tilespmem:s3+$0x4280]  }
0xb0: {  	v13 =	vld [tilespmem:s3+$0x4080]  }
0xb1: {  	v14 =	vld [tilespmem:s3+$0x2380]  }
0xb2: {  	v15 =	vld [tilespmem:s3+$0x4000]  }
0xb3: {  	v16 =	vld [tilespmem:s3+$0x0]  }
0xb4: {  	v17 =	vld [tilespmem:s3+$0x80]  }
0xb5: {  	v18 =	vld [tilespmem:s3+$0x100]  }
0xb6: {  	v40 =	vld [tilespmem:s3+$0x6200]  }
0xb7: {  	v19 =	vld [tilespmem:s3+$0x180]  }
0xb8: {  	v41 =	vld [tilespmem:s3+$0x4180];
	v11 =	vadd.f32 v12, v11  }
0xb9: {  	v42 =	vld [tilespmem:s3+$0x6280];
	v14 =	vadd.f32 v15, v14  }
0xba: {  	v43 =	vld [tilespmem:s3+$0x200];
	v6 =	vadd.f32 v6, v7;
	v9 =	vadd.f32 v9, v11  }
0xbb: {  	v45 =	vld [tilespmem:s3+$0x6380];
	v7 =	vadd.f32 v17, v16;
	v13 =	vadd.f32 v13, v14  }
0xbc: {  	v46 =	vld [tilespmem:s3+$0x6300];
	v4 =	vadd.f32 v4, v6;
	v8 =	vadd.f32 v8, v9  }
0xbd: {  	v44 =	vld [tilespmem:s3+$0x2100];
	v7 =	vadd.f32 v18, v7;
	v10 =	vadd.f32 v10, v13  }
0xbe: {  	v3 =	vmul.f32 $5.000000000e+00, v3;
	v6 =	vld [tilespmem:s3+$0x2180];
	v4 =	vadd.f32 v40, v4;
	v5 =	vadd.f32 v5, v8  }
0xbf: {  	v7 =	vadd.f32 v19, v7;
	v10 =	vadd.f32 v41, v10  }
0xc0: {  	v47 =	vld [tilespmem:s3+$0x2200];
	v4 =	vadd.f32 v42, v4;
	v5 =	vsub.f32 v5, v3  }
0xc1: {  	v49 =	vld [tilespmem:s3+$0x8000];
	v7 =	vadd.f32 v43, v7;
	v8 =	vadd.f32 v45, v46  }
0xc2: {  	v50 =	vld [tilespmem:s3+$0x2280];
	v48 =	vsub.f32 v10, v3;
	v5 =	vadd.f32 $0.0e+00, v5  }
0xc3: {  	v51 =	vld [tilespmem:s3+$0x8080];
	v6 =	vadd.f32 v6, v44;
	v4 =	vsub.f32 v4, v3  }
0xc4: {  	v52 =	vld [tilespmem:s3+$0x2300];
	v7 =	vsub.f32 v7, v3;
	v9 =	vadd.f32 $0.0e+00, v48;
	v5 =	vmul.f32 $1.442695020e+00, v5  }
0xc5: {  	v6 =	vadd.f32 v47, v6;
	v4 =	vadd.f32 $0.0e+00, v4  }
0xc6: {  	v7 =	vadd.f32 $0.0e+00, v7;
	v9 =	vmul.f32 $1.442695020e+00, v9;
	(erf) = vpow2.f32 v5;
	v5 =	vld [tilespmem:s3+$0x8100]  }
0xc7: {  	v8 =	vadd.f32 v49, v8;
	v6 =	vadd.f32 v50, v6;
	v4 =	vmul.f32 $1.442695020e+00, v4  }
0xc8: {  	v7 =	vmul.f32 $1.442695020e+00, v7;
	(erf) = vpow2.f32 v9  }
0xc9: {  	v6 =	vadd.f32 v52, v6;
	(erf) = vpow2.f32 v4;
	v4 =	vadd.f32 v51, v8  }
0xca: {  	(erf) = vpow2.f32 v7  }
0xcb: {  	v4 =	vadd.f32 v5, v4;
	v5 =	vsub.f32 v6, v3;
	_ =	sdelay $0x1  }
0xcc: {  	v4 =	vsub.f32 v4, v3;
	v5 =	vadd.f32 $0.0e+00, v5;
	_ =	sdelay $0x1  }
0xcd: {  	v4 =	vadd.f32 $0.0e+00, v4;
	v5 =	vmul.f32 $1.442695020e+00, v5  }
0xce: {  	v6 =	vpop (erf)  }
0xcf: {  	v7 =	vpop (erf);
	v4 =	vmul.f32 $1.442695020e+00, v4  }
0xd0: {  	v53 =	vpop (erf);
	(erf) = vpow2.f32 v5  }
0xd1: {  	v5 =	vpop (erf);
	(erf) = vpow2.f32 v4  }
0xd2: {  	v4 =	vadd.f32 $1.000000000e+00, v5;
	_ =	sdelay $0x1  }
0xd3: {  	(erf) = vrcp.f32 v4  }
0xd4: {  	v4 =	vadd.f32 $1.000000000e+00, v7;
	_ =	sdelay $0x2  }
0xd5: {  	v5 =	vadd.f32 $1.000000000e+00, v6  }
0xd6: {  	(erf) = vrcp.f32 v4;
	v4 =	vpop (erf)  }
0xd7: {  	v54 =	vld [tilespmem:s3+$0x280];
	(erf) = vrcp.f32 v5;
	v5 =	vadd.f32 $1.000000000e+00, v53;
	v6 =	vpop (erf)  }
0xd8: {  	v7 =	vld [tilespmem:s3+$0x300];
	v6 =	vadd.f32 $1.000000000e+00, v6  }
0xd9: {  	(erf) = vrcp.f32 v5;
	v5 =	vld [tilespmem:s3+$0x8200]  }
0xda: {  	s16 =	sor.u32 s11, s11;
	v55 =	vpop (erf);
	(erf) = vrcp.f32 v6;
	v6 =	vld [tilespmem:s3+$0x8180]  }
0xdb: {  	s12 =	sor.u32 $0x380, s16;
	v56 =	vld [tilespmem:s3+$0x8280];
	[tilespmem:s3+$0x14000] =	vst v55  }
0xdc: {  	v9 =	vld [tilespmem:s12+$0x0]  }
0xdd: {  	v58 =	vld [tilespmem:s3+$0x2000]  }
0xde: {  	v60 =	vld [tilespmem:s3+$0x8300];
	v4 =	vadd.f32 $1.000000000e+00, v4  }
0xdf: {  	v62 =	vld [tilespmem:s3+$0x2080];
	v7 =	vadd.f32 v7, v54;
	v5 =	vadd.f32 v5, v6  }
0xe0: {  	v57 =	vpop (erf);
	v6 =	vld [tilespmem:s3+$0x8380]  }
0xe1: {  	v59 =	vpop (erf);
	(erf) = vrcp.f32 v4;
	v4 =	vadd.f32 v9, v7;
	v5 =	vadd.f32 v56, v5;
	_ =	sdelay $0x1  }
0xe2: {  	v4 =	vadd.f32 v58, v4;
	v5 =	vadd.f32 v60, v5;
	_ =	sdelay $0x1  }
0xe3: {  	v4 =	vadd.f32 v62, v4;
	v5 =	vadd.f32 v6, v5;
	_ =	sdelay $0x1  }
0xe4: {  	v4 =	vsub.f32 v4, v3;
	v3 =	vsub.f32 v5, v3;
	_ =	sdelay $0x1  }
0xe5: {  	[tilespmem:s3+$0x14180] =	vst v57;
	v61 =	vpop (erf)  }
0xe6: {  	[tilespmem:s3+$0x14200] =	vst v59;
	v63 =	vpop (erf);
	v4 =	vadd.f32 $0.0e+00, v4  }
0xe7: {  	[tilespmem:s3+$0x14280] =	vst v61;
	v5 =	vadd.f32 $0.0e+00, v3;
	v3 =	vpop (erf)  }
0xe8: {  	[tilespmem:s3+$0x14100] =	vst v3;
	v3 =	vmul.f32 $1.442695020e+00, v4  }
0xe9: {  	s5 =	simm.s32 $0x10;
	[tilespmem:s3+$0x14300] =	vst v63;
	v4 =	vmul.f32 $1.442695020e+00, v5  }
.LBB2_3:
0xea: {  	p1 =	sne.s32 s5, $0x3F0;
	s11 =	sadd.s32 $0x80, s11;
	s13 =	sadd.s32 $0x10, s13;
	(erf) = vpow2.f32 v3  }
0xeb: {  	s10 =	smov.u32 s5;
	s5 =	sadd.s32 $0x10, s5;
	(erf) = vpow2.f32 v4;
	_ =	sdelay $0x7  }
0xec: {  	v3 =	vpop (erf)  }
0xed: {  	v3 =	vadd.f32 $1.000000000e+00, v3;
	v4 =	vpop (erf)  }
0xee: {  	v4 =	vadd.f32 $1.000000000e+00, v4  }
0xef: {  	(erf) = vrcp.f32 v3  }
0xf0: {  	(erf) = vrcp.f32 v4;
	_ =	sdelay $0x6  }
0xf1: {  	s14 =	sand.u32 $0x70, s10;
	s15 =	sand.u32 $0x1C00, s11  }
0xf2: {  	s14 =	sor.u32 s14, s15;
	v3 =	vpop (erf)  }
0xf3: {  	[tilespmem:s3+$0x14080] =	vst v3;
	v3 =	vpop (erf);
	s3 =	smov.u32 s14  }
0xf4: {  	[tilespmem:s12+$0x14000] =	vst v3  }
0xf5: {  	v3 =	vld [tilespmem:s13+$0x0]  }
0xf6: {  	v4 =	vld [tilespmem:s3+$0x6180]  }
0xf7: {  	v5 =	vld [tilespmem:s3+$0x6000]  }
0xf8: {  	v6 =	vld [tilespmem:s3+$0x6100]  }
0xf9: {  	v7 =	vld [tilespmem:s3+$0x6080]  }
0xfa: {  	v8 =	vld [tilespmem:s3+$0x4380]  }
0xfb: {  	v9 =	vld [tilespmem:s3+$0x4300]  }
0xfc: {  	v10 =	vld [tilespmem:s3+$0x4100]  }
0xfd: {  	v11 =	vld [tilespmem:s3+$0x2300]  }
0xfe: {  	v3 =	vmul.f32 $5.000000000e+00, v3;
	v12 =	vld [tilespmem:s3+$0x2280]  }
0xff: {  	v13 =	vld [tilespmem:s3+$0x4200]  }
0x100: {  	v14 =	vld [tilespmem:s3+$0x4280]  }
0x101: {  	v15 =	vld [tilespmem:s3+$0x4080]  }
0x102: {  	v16 =	vld [tilespmem:s3+$0x2200]  }
0x103: {  	v17 =	vld [tilespmem:s3+$0x100]  }
0x104: {  	v18 =	vld [tilespmem:s3+$0x2180]  }
0x105: {  	v19 =	vld [tilespmem:s3+$0x2380];
	v13 =	vadd.f32 v14, v13  }
0x106: {  	v14 =	vld [tilespmem:s3+$0x2100]  }
0x107: {  	v20 =	vld [tilespmem:s3+$0x4000];
	v9 =	vadd.f32 v9, v13  }
0x108: {  	v13 =	vld [tilespmem:s3+$0x0]  }
0x109: {  	v21 =	vld [tilespmem:s3+$0x80];
	v8 =	vadd.f32 v8, v9  }
0x10a: {  	v9 =	vld [tilespmem:s3+$0x200]  }
0x10b: {  	v14 =	vadd.f32 v18, v14;
	v5 =	vadd.f32 v5, v8;
	v8 =	vld [tilespmem:s3+$0x6200]  }
0x10c: {  	v18 =	vld [tilespmem:s3+$0x180];
	v19 =	vadd.f32 v20, v19  }
0x10d: {  	v14 =	vadd.f32 v16, v14;
	v16 =	vld [tilespmem:s3+$0x4180];
	v5 =	vsub.f32 v5, v3  }
0x10e: {  	v6 =	vadd.f32 v6, v7;
	v13 =	vadd.f32 v21, v13;
	v7 =	vld [tilespmem:s3+$0x6380]  }
0x10f: {  	v15 =	vadd.f32 v15, v19;
	v5 =	vadd.f32 $0.0e+00, v5;
	v19 =	vld [tilespmem:s3+$0x6280]  }
0x110: {  	v4 =	vadd.f32 v4, v6;
	v13 =	vadd.f32 v17, v13;
	v6 =	vld [tilespmem:s3+$0x6300]  }
0x111: {  	v12 =	vadd.f32 v12, v14;
	v10 =	vadd.f32 v10, v15;
	v5 =	vmul.f32 $1.442695020e+00, v5  }
0x112: {  	v4 =	vadd.f32 v8, v4;
	v13 =	vadd.f32 v18, v13;
	v8 =	vld [tilespmem:s3+$0x8000]  }
0x113: {  	v11 =	vadd.f32 v11, v12;
	v10 =	vadd.f32 v16, v10;
	(erf) = vpow2.f32 v5  }
0x114: {  	v5 =	vadd.f32 v9, v13;
	v4 =	vadd.f32 v19, v4;
	v9 =	vld [tilespmem:s3+$0x8080]  }
0x115: {  	v10 =	vsub.f32 v10, v3;
	v6 =	vadd.f32 v7, v6  }
0x116: {  	v5 =	vsub.f32 v5, v3;
	v4 =	vsub.f32 v4, v3;
	v7 =	vld [tilespmem:s3+$0x8100]  }
0x117: {  	v10 =	vadd.f32 $0.0e+00, v10;
	v6 =	vadd.f32 v8, v6  }
0x118: {  	v5 =	vadd.f32 $0.0e+00, v5;
	v4 =	vadd.f32 $0.0e+00, v4  }
0x119: {  	v8 =	vsub.f32 v11, v3;
	v10 =	vmul.f32 $1.442695020e+00, v10;
	v6 =	vadd.f32 v9, v6  }
0x11a: {  	v5 =	vmul.f32 $1.442695020e+00, v5;
	v4 =	vmul.f32 $1.442695020e+00, v4  }
0x11b: {  	v8 =	vadd.f32 $0.0e+00, v8;
	v6 =	vadd.f32 v7, v6;
	(erf) = vpow2.f32 v10  }
0x11c: {  	v7 =	vpop (erf);
	(erf) = vpow2.f32 v4  }
0x11d: {  	v4 =	vadd.f32 $1.000000000e+00, v7;
	v6 =	vsub.f32 v6, v3;
	(erf) = vpow2.f32 v5  }
0x11e: {  	v5 =	vmul.f32 $1.442695020e+00, v8  }
0x11f: {  	v6 =	vadd.f32 $0.0e+00, v6  }
0x120: {  	(erf) = vpow2.f32 v5  }
0x121: {  	v6 =	vmul.f32 $1.442695020e+00, v6;
	_ =	sdelay $0x1  }
0x122: {  	(erf) = vpow2.f32 v6  }
0x123: {  	v5 =	vpop (erf)  }
0x124: {  	v5 =	vadd.f32 $1.000000000e+00, v5;
	v6 =	vpop (erf)  }
0x125: {  	v6 =	vadd.f32 $1.000000000e+00, v6;
	v7 =	vpop (erf)  }
0x126: {  	v8 =	vadd.f32 $1.000000000e+00, v7;
	_ =	sdelay $0x1  }
0x127: {  	(erf) = vrcp.f32 v8;
	v7 =	vpop (erf)  }
0x128: {  	v7 =	vadd.f32 $1.000000000e+00, v7;
	_ =	sdelay $0x1  }
0x129: {  	(erf) = vrcp.f32 v5;
	v5 =	vpop (erf)  }
0x12a: {  	v5 =	vadd.f32 $1.000000000e+00, v5;
	(erf) = vrcp.f32 v4  }
0x12b: {  	(erf) = vrcp.f32 v6  }
0x12c: {  	(erf) = vrcp.f32 v5  }
0x12d: {  	v4 =	vld [tilespmem:s3+$0x300];
	(erf) = vrcp.f32 v7  }
0x12e: {  	v5 =	vld [tilespmem:s3+$0x280]  }
0x12f: {  	s10 =	sor.u32 s11, s10;
	v6 =	vld [tilespmem:s3+$0x8200];
	v7 =	vpop (erf)  }
0x130: {  	s12 =	sor.u32 $0x380, s10;
	[tilespmem:s3+$0x14000] =	vst v7;
	v7 =	vld [tilespmem:s3+$0x8180]  }
0x131: {  	v8 =	vld [tilespmem:s12+$0x0]  }
0x132: {  	v9 =	vld [tilespmem:s3+$0x8280];
	v10 =	vpop (erf)  }
0x133: {  	v4 =	vadd.f32 v4, v5;
	v5 =	vld [tilespmem:s3+$0x2000];
	[tilespmem:s3+$0x14180] =	vst v10;
	v10 =	vpop (erf)  }
0x134: {  	[tilespmem:s3+$0x14200] =	vst v10;
	v10 =	vld [tilespmem:s3+$0x8300];
	v11 =	vpop (erf)  }
0x135: {  	v12 =	vld [tilespmem:s3+$0x2080];
	[tilespmem:s3+$0x14280] =	vst v11;
	v6 =	vadd.f32 v6, v7;
	v7 =	vpop (erf)  }
0x136: {  	v4 =	vadd.f32 v8, v4;
	[tilespmem:s3+$0x14300] =	vst v7;
	v7 =	vld [tilespmem:s3+$0x8380];
	v8 =	vpop (erf)  }
0x137: {  	[tilespmem:s3+$0x14100] =	vst v8;
	v6 =	vadd.f32 v9, v6  }
0x138: {  	v4 =	vadd.f32 v5, v4  }
0x139: {  	v5 =	vadd.f32 v10, v6  }
0x13a: {  	v4 =	vadd.f32 v12, v4  }
0x13b: {  	v5 =	vadd.f32 v7, v5  }
0x13c: {  	v4 =	vsub.f32 v4, v3  }
.Ltmp4:
0x13d: {  	v3 =	vsub.f32 v5, v3;
	(pc) =	sbr.rel @p1 .LBB2_3-.Ltmp4, $4  }
0x13e: {  	v4 =	vadd.f32 $0.0e+00, v4  }
0x13f: {  	v5 =	vadd.f32 $0.0e+00, v3  }
0x140: {  	v3 =	vmul.f32 $1.442695020e+00, v4  }
0x141: {  	v4 =	vmul.f32 $1.442695020e+00, v5  }
0x142: {  	(erf) = vpow2.f32 v3  }
0x143: {  	(erf) = vpow2.f32 v4;
	_ =	sdelay $0x7  }
0x144: {  	v3 =	vpop (erf)  }
0x145: {  	v3 =	vadd.f32 $1.000000000e+00, v3;
	v4 =	vpop (erf)  }
0x146: {  	v4 =	vadd.f32 $1.000000000e+00, v4  }
0x147: {  	(erf) = vrcp.f32 v3  }
0x148: {  	(erf) = vrcp.f32 v4;
	_ =	sdelay $0x4  }
0x149: {  	p1 =	seq.s32 s0, $0x7  }
.Ltmp5:
0x14a: {  	_ = 	snop;
	(pc) =	sbr.rel @p1 .LBB2_6-.Ltmp5, $4  }
0x14b: {  	_ = 	snop  }
0x14c: {  	v3 =	vpop (erf)  }
0x14d: {  	[tilespmem:s3+$0x14080] =	vst v3;
	v3 =	vpop (erf)  }
0x14e: {  	[tilespmem:s12+$0x14000] =	vst v3  }
0x14f: {  	s3 =	smul.u32 $0x140, s0;
	_ =	sdelay $0x1  }
0x150: {  	s3 =	sshra.s32 s3, $0x2  }
0x151: {  	v3 =	vld [tilespmem:s3+$0x18050];
	_ =	sdelay $0x4  }
0x152: {  	v4 =	vshll.u32 v3, $0x3  }
0x153: {  	v3 =	vand.u32 $0x7, v3;
	v4 =	vand.u32 $0xFFFFFFC0, v4  }
0x154: {  	v3 =	vor.u32 v3, v4  }
0x155: {  	v4 =	vperm.xlane v3, v0;
	_ =	sdelay $0x1  }
0x156: {  	v4 =	vadd.s32 v1, v4;
	_ =	sdelay $0x4  }
0x157: {  	[tilespmem:s4], [sflag:$0x1] =	stream.indirect_vreg.gather [hbm4b:s1+s4], $0x80, v4, vm0, $0xb8;
	[tilespmem:$0x18680] =	vst v63  }
0x158: {  	s5 =	simm.s32 $0x800;
	v3 =	vperm.xlane v3, v2  }
0x159: {  	[tilespmem:s5], [sflag:$0x1] =	stream.indirect_vreg.gather [hbm4b:s6+s4], $0x80, v4, vm0, $0xb8;
	[tilespmem:$0x18680] =	vst v63  }
0x15a: {  	s13 =	simm.s32 $0x1000;
	v3 =	vadd.s32 v1, v3  }
0x15b: {  	[tilespmem:s13], [sflag:$0x1] =	stream.indirect_vreg.gather [hbm4b:s7+s4], $0x80, v4, vm0, $0xb8;
	[tilespmem:$0x18680] =	vst v63  }
0x15c: {  	s14 =	simm.s32 $0x1800  }
0x15d: {  	[tilespmem:s14], [sflag:$0x1] =	stream.indirect_vreg.gather [hbm4b:s8+s4], $0x80, v4, vm0, $0xb8;
	[tilespmem:$0x18680] =	vst v63  }
0x15e: {  	s15 =	simm.s32 $0x2000  }
0x15f: {  	[tilespmem:s15], [sflag:$0x1] =	stream.indirect_vreg.gather [hbm4b:s1+s4], $0x80, v3, vm0, $0xb8;
	[tilespmem:$0x18680] =	vst v63  }
0x160: {  	s16 =	simm.s32 $0x2800  }
0x161: {  	[tilespmem:s16], [sflag:$0x1] =	stream.indirect_vreg.gather [hbm4b:s6+s4], $0x80, v3, vm0, $0xb8;
	[tilespmem:$0x18680] =	vst v63  }
0x162: {  	s10 =	simm.s32 $0x3000  }
0x163: {  	[tilespmem:s10], [sflag:$0x1] =	stream.indirect_vreg.gather [hbm4b:s7+s4], $0x80, v3, vm0, $0xb8;
	[tilespmem:$0x18680] =	vst v63  }
0x164: {  	s11 =	simm.s32 $0x3800  }
0x165: {  	[tilespmem:s11], [sflag:$0x1] =	stream.indirect_vreg.gather [hbm4b:s8+s4], $0x80, v3, vm0, $0xb8;
	[tilespmem:$0x18680] =	vst v63  }
0x166: {  	v3 =	vld [tilespmem:s3+$0x18060];
	_ =	sdelay $0x4  }
0x167: {  	v62 =	vshll.u32 v3, $0x3  }
0x168: {  	v3 =	vand.u32 $0x7, v3;
	v4 =	vand.u32 $0xFFFFFFC0, v62  }
0x169: {  	v3 =	vor.u32 v3, v4  }
0x16a: {  	v4 =	vperm.xlane v3, v0;
	_ =	sdelay $0x1  }
0x16b: {  	v4 =	vadd.s32 v1, v4;
	_ =	sdelay $0x3  }
0x16c: {  	s12 =	simm.s32 $0x4000  }
0x16d: {  	[tilespmem:s12], [sflag:$0x1] =	stream.indirect_vreg.gather [hbm4b:s1+s4], $0x80, v4, vm0, $0xb8;
	[tilespmem:$0x18680] =	vst v63  }
0x16e: {  	s13 =	simm.s32 $0x4800;
	v3 =	vperm.xlane v3, v2  }
0x16f: {  	[tilespmem:s13], [sflag:$0x1] =	stream.indirect_vreg.gather [hbm4b:s6+s4], $0x80, v4, vm0, $0xb8;
	[tilespmem:$0x18680] =	vst v63  }
0x170: {  	s14 =	simm.s32 $0x5000;
	v3 =	vadd.s32 v1, v3  }
0x171: {  	[tilespmem:s14], [sflag:$0x1] =	stream.indirect_vreg.gather [hbm4b:s7+s4], $0x80, v4, vm0, $0xb8;
	[tilespmem:$0x18680] =	vst v63  }
0x172: {  	s15 =	simm.s32 $0x5800  }
0x173: {  	[tilespmem:s15], [sflag:$0x1] =	stream.indirect_vreg.gather [hbm4b:s8+s4], $0x80, v4, vm0, $0xb8;
	[tilespmem:$0x18680] =	vst v63  }
0x174: {  	s16 =	simm.s32 $0x6000  }
0x175: {  	[tilespmem:s16], [sflag:$0x1] =	stream.indirect_vreg.gather [hbm4b:s1+s4], $0x80, v3, vm0, $0xb8;
	[tilespmem:$0x18680] =	vst v63  }
0x176: {  	s10 =	simm.s32 $0x6800  }
0x177: {  	[tilespmem:s10], [sflag:$0x1] =	stream.indirect_vreg.gather [hbm4b:s6+s4], $0x80, v3, vm0, $0xb8;
	[tilespmem:$0x18680] =	vst v63  }
0x178: {  	s11 =	simm.s32 $0x7000  }
0x179: {  	[tilespmem:s11], [sflag:$0x1] =	stream.indirect_vreg.gather [hbm4b:s7+s4], $0x80, v3, vm0, $0xb8;
	[tilespmem:$0x18680] =	vst v63  }
0x17a: {  	s12 =	simm.s32 $0x7800  }
0x17b: {  	[tilespmem:s12], [sflag:$0x1] =	stream.indirect_vreg.gather [hbm4b:s8+s4], $0x80, v3, vm0, $0xb8;
	[tilespmem:$0x18680] =	vst v63  }
0x17c: {  	v3 =	vld.msk [tilespmem:s3+$0x18070], $0xff;
	_ =	sdelay $0x4  }
0x17d: {  	v63 =	vshll.u32 v3, $0x3  }
0x17e: {  	v3 =	vand.u32 $0x7, v3;
	v4 =	vand.u32 $0xFFFFFFC0, v63  }
0x17f: {  	v3 =	vor.u32 v3, v4  }
0x180: {  	v3 =	vperm.xlane v3, v0;
	_ =	sdelay $0x1  }
0x181: {  	v3 =	vadd.s32 v1, v3;
	_ =	sdelay $0x3  }
0x182: {  	s13 =	simm.s32 $0x8000  }
0x183: {  	[tilespmem:s13], [sflag:$0x1] =	stream.indirect_vreg.gather [hbm4b:s1+s4], $0x80, v3, vm0, $0xb8;
	[tilespmem:$0x18680] =	vst v63  }
0x184: {  	s14 =	simm.s32 $0x8800  }
0x185: {  	[tilespmem:s14], [sflag:$0x1] =	stream.indirect_vreg.gather [hbm4b:s6+s4], $0x80, v3, vm0, $0xb8;
	[tilespmem:$0x18680] =	vst v63  }
0x186: {  	s15 =	simm.s32 $0x9000  }
0x187: {  	[tilespmem:s15], [sflag:$0x1] =	stream.indirect_vreg.gather [hbm4b:s7+s4], $0x80, v3, vm0, $0xb8;
	[tilespmem:$0x18680] =	vst v63  }
0x188: {  	s16 =	simm.s32 $0x9800  }
0x189: {  	[tilespmem:s16], [sflag:$0x1] =	stream.indirect_vreg.gather [hbm4b:s8+s4], $0x80, v3, vm0, $0xb8;
	[tilespmem:$0x18680] =	vst v63  }
.LBB2_6:
0x18a: {  	s3 =	sshll.u32 s0, $0xB  }
0x18b: {  	s3 =	sadd.s32 s3, s9  }
0x18c: {  	[hbm4b:s3+s4] =	stream.linear.scatter [tilespmem:s30], [sflag:$0x3], $0x2000, $0x38;
	[tilespmem:$0x18680] =	vst v63  }
0x18d: {  	_ =	swait.ge [sflag:s31], $0xA000  }
0x18e: {  	[sflag:s31] =	ssyncset.done $0x0  }
0x18f: {  	s5 =	simm.s32 @!p0 $0x4;
	[sflag:s31] =	ssyncadd.s32 $0xFFFF6000  }
0x190: {  	s13 =	simm.s32 $0x0;
	_ =	swait.ge @!p0 [sflag:s5], $0x2000  }
0x191: {  	s10 =	sand.u32 $0x70, s13;
	[sflag:s5] =	ssyncset.done @!p0 $0x0  }
0x192: {  	s11 =	sand.u32 $0x1C00, s13;
	[sflag:s5] =	ssyncadd.s32 @!p0 $0xFFFFE000;
	s5 =	simm.s32 $0x18280  }
0x193: {  	s11 =	sor.u32 s10, s11;
	v3 =	vld [tilespmem:s5+$0x0]  }
0x194: {  	v4 =	vld [tilespmem:s11+$0x10180]  }
0x195: {  	v5 =	vld [tilespmem:s11+$0x10000]  }
0x196: {  	v6 =	vld [tilespmem:s11+$0x10100]  }
0x197: {  	v7 =	vld [tilespmem:s11+$0x10080]  }
0x198: {  	v8 =	vld [tilespmem:s11+$0xE380]  }
0x199: {  	v9 =	vld [tilespmem:s11+$0xE300]  }
0x19a: {  	v10 =	vld [tilespmem:s11+$0xE100]  }
0x19b: {  	v11 =	vld [tilespmem:s11+$0xE200]  }
0x19c: {  	v12 =	vld [tilespmem:s11+$0xE280]  }
0x19d: {  	v13 =	vld [tilespmem:s11+$0xE080]  }
0x19e: {  	v14 =	vld [tilespmem:s11+$0xC380]  }
0x19f: {  	v15 =	vld [tilespmem:s11+$0xE000]  }
0x1a0: {  	v16 =	vld [tilespmem:s11+$0xA000]  }
0x1a1: {  	v17 =	vld [tilespmem:s11+$0xA080]  }
0x1a2: {  	v18 =	vld [tilespmem:s11+$0xA100]  }
0x1a3: {  	v40 =	vld [tilespmem:s11+$0x10200]  }
0x1a4: {  	v19 =	vld [tilespmem:s11+$0xA180]  }
0x1a5: {  	v41 =	vld [tilespmem:s11+$0xE180];
	v11 =	vadd.f32 v12, v11  }
0x1a6: {  	v42 =	vld [tilespmem:s11+$0x10280];
	v14 =	vadd.f32 v15, v14  }
0x1a7: {  	v43 =	vld [tilespmem:s11+$0xA200];
	v6 =	vadd.f32 v6, v7;
	v9 =	vadd.f32 v9, v11  }
0x1a8: {  	v45 =	vld [tilespmem:s11+$0x10380];
	v7 =	vadd.f32 v17, v16;
	v13 =	vadd.f32 v13, v14  }
0x1a9: {  	v46 =	vld [tilespmem:s11+$0x10300];
	v4 =	vadd.f32 v4, v6;
	v8 =	vadd.f32 v8, v9  }
0x1aa: {  	v44 =	vld [tilespmem:s11+$0xC100];
	v7 =	vadd.f32 v18, v7;
	v10 =	vadd.f32 v10, v13  }
0x1ab: {  	v3 =	vmul.f32 $5.000000000e+00, v3;
	v6 =	vld [tilespmem:s11+$0xC180];
	v4 =	vadd.f32 v40, v4;
	v5 =	vadd.f32 v5, v8  }
0x1ac: {  	v7 =	vadd.f32 v19, v7;
	v10 =	vadd.f32 v41, v10  }
0x1ad: {  	v47 =	vld [tilespmem:s11+$0xC200];
	v4 =	vadd.f32 v42, v4;
	v5 =	vsub.f32 v5, v3  }
0x1ae: {  	v49 =	vld [tilespmem:s11+$0x12000];
	v7 =	vadd.f32 v43, v7;
	v8 =	vadd.f32 v45, v46  }
0x1af: {  	v50 =	vld [tilespmem:s11+$0xC280];
	v48 =	vsub.f32 v10, v3;
	v5 =	vadd.f32 $0.0e+00, v5  }
0x1b0: {  	v51 =	vld [tilespmem:s11+$0x12080];
	v6 =	vadd.f32 v6, v44;
	v4 =	vsub.f32 v4, v3  }
0x1b1: {  	v52 =	vld [tilespmem:s11+$0xC300];
	v7 =	vsub.f32 v7, v3;
	v9 =	vadd.f32 $0.0e+00, v48;
	v5 =	vmul.f32 $1.442695020e+00, v5  }
0x1b2: {  	v6 =	vadd.f32 v47, v6;
	v4 =	vadd.f32 $0.0e+00, v4  }
0x1b3: {  	v7 =	vadd.f32 $0.0e+00, v7;
	v9 =	vmul.f32 $1.442695020e+00, v9;
	(erf) = vpow2.f32 v5;
	v5 =	vld [tilespmem:s11+$0x12100]  }
0x1b4: {  	v8 =	vadd.f32 v49, v8;
	v6 =	vadd.f32 v50, v6;
	v4 =	vmul.f32 $1.442695020e+00, v4  }
0x1b5: {  	v7 =	vmul.f32 $1.442695020e+00, v7;
	(erf) = vpow2.f32 v9  }
0x1b6: {  	v6 =	vadd.f32 v52, v6;
	(erf) = vpow2.f32 v4;
	v4 =	vadd.f32 v51, v8  }
0x1b7: {  	(erf) = vpow2.f32 v7  }
0x1b8: {  	v4 =	vadd.f32 v5, v4;
	v5 =	vsub.f32 v6, v3;
	_ =	sdelay $0x1  }
0x1b9: {  	v4 =	vsub.f32 v4, v3;
	v5 =	vadd.f32 $0.0e+00, v5;
	_ =	sdelay $0x1  }
0x1ba: {  	v4 =	vadd.f32 $0.0e+00, v4;
	v5 =	vmul.f32 $1.442695020e+00, v5  }
0x1bb: {  	v6 =	vpop (erf)  }
0x1bc: {  	v7 =	vpop (erf);
	v4 =	vmul.f32 $1.442695020e+00, v4  }
0x1bd: {  	v53 =	vpop (erf);
	(erf) = vpow2.f32 v5  }
0x1be: {  	v5 =	vpop (erf);
	(erf) = vpow2.f32 v4  }
0x1bf: {  	v4 =	vadd.f32 $1.000000000e+00, v5;
	_ =	sdelay $0x1  }
0x1c0: {  	(erf) = vrcp.f32 v4  }
0x1c1: {  	v4 =	vadd.f32 $1.000000000e+00, v7;
	_ =	sdelay $0x2  }
0x1c2: {  	v5 =	vadd.f32 $1.000000000e+00, v6  }
0x1c3: {  	(erf) = vrcp.f32 v4;
	v4 =	vpop (erf)  }
0x1c4: {  	v54 =	vld [tilespmem:s11+$0xA280];
	(erf) = vrcp.f32 v5;
	v5 =	vadd.f32 $1.000000000e+00, v53;
	v6 =	vpop (erf)  }
0x1c5: {  	v7 =	vld [tilespmem:s11+$0xA300];
	v6 =	vadd.f32 $1.000000000e+00, v6  }
0x1c6: {  	(erf) = vrcp.f32 v5;
	v5 =	vld [tilespmem:s11+$0x12200]  }
0x1c7: {  	s16 =	sor.u32 s13, s13;
	v55 =	vpop (erf);
	(erf) = vrcp.f32 v6;
	v6 =	vld [tilespmem:s11+$0x12180]  }
0x1c8: {  	s14 =	sor.u32 $0x380, s16;
	v56 =	vld [tilespmem:s11+$0x12280];
	[tilespmem:s11+$0x16000] =	vst v55  }
0x1c9: {  	v9 =	vld [tilespmem:s14+$0xA000]  }
0x1ca: {  	v58 =	vld [tilespmem:s11+$0xC000]  }
0x1cb: {  	v60 =	vld [tilespmem:s11+$0x12300];
	v4 =	vadd.f32 $1.000000000e+00, v4  }
0x1cc: {  	v62 =	vld [tilespmem:s11+$0xC080];
	v7 =	vadd.f32 v7, v54;
	v5 =	vadd.f32 v5, v6  }
0x1cd: {  	v57 =	vpop (erf);
	v6 =	vld [tilespmem:s11+$0x12380]  }
0x1ce: {  	v59 =	vpop (erf);
	(erf) = vrcp.f32 v4;
	v4 =	vadd.f32 v9, v7;
	v5 =	vadd.f32 v56, v5;
	_ =	sdelay $0x1  }
0x1cf: {  	v4 =	vadd.f32 v58, v4;
	v5 =	vadd.f32 v60, v5;
	_ =	sdelay $0x1  }
0x1d0: {  	v4 =	vadd.f32 v62, v4;
	v5 =	vadd.f32 v6, v5;
	_ =	sdelay $0x1  }
0x1d1: {  	v4 =	vsub.f32 v4, v3;
	v3 =	vsub.f32 v5, v3;
	_ =	sdelay $0x1  }
0x1d2: {  	[tilespmem:s11+$0x16180] =	vst v57;
	v61 =	vpop (erf)  }
0x1d3: {  	[tilespmem:s11+$0x16200] =	vst v59;
	v63 =	vpop (erf);
	v4 =	vadd.f32 $0.0e+00, v4  }
0x1d4: {  	[tilespmem:s11+$0x16280] =	vst v61;
	v5 =	vadd.f32 $0.0e+00, v3;
	v3 =	vpop (erf)  }
0x1d5: {  	[tilespmem:s11+$0x16100] =	vst v3;
	v3 =	vmul.f32 $1.442695020e+00, v4  }
0x1d6: {  	s10 =	simm.s32 $0x10;
	[tilespmem:s11+$0x16300] =	vst v63;
	v4 =	vmul.f32 $1.442695020e+00, v5  }
.LBB2_7:
0x1d7: {  	p0 =	sne.s32 s10, $0x3F0;
	s13 =	sadd.s32 $0x80, s13;
	s5 =	sadd.s32 $0x10, s5;
	(erf) = vpow2.f32 v3  }
0x1d8: {  	s12 =	smov.u32 s10;
	s10 =	sadd.s32 $0x10, s10;
	(erf) = vpow2.f32 v4;
	_ =	sdelay $0x7  }
0x1d9: {  	v3 =	vpop (erf)  }
0x1da: {  	v3 =	vadd.f32 $1.000000000e+00, v3;
	v4 =	vpop (erf)  }
0x1db: {  	v4 =	vadd.f32 $1.000000000e+00, v4  }
0x1dc: {  	(erf) = vrcp.f32 v3  }
0x1dd: {  	(erf) = vrcp.f32 v4;
	_ =	sdelay $0x6  }
0x1de: {  	s15 =	sand.u32 $0x70, s12;
	s16 =	sand.u32 $0x1C00, s13  }
0x1df: {  	s15 =	sor.u32 s15, s16;
	v3 =	vpop (erf)  }
0x1e0: {  	[tilespmem:s11+$0x16080] =	vst v3;
	v3 =	vpop (erf);
	s11 =	smov.u32 s15  }
0x1e1: {  	[tilespmem:s14+$0x16000] =	vst v3  }
0x1e2: {  	v3 =	vld [tilespmem:s5+$0x0]  }
0x1e3: {  	v4 =	vld [tilespmem:s11+$0x10180]  }
0x1e4: {  	v5 =	vld [tilespmem:s11+$0x10000]  }
0x1e5: {  	v6 =	vld [tilespmem:s11+$0x10100]  }
0x1e6: {  	v7 =	vld [tilespmem:s11+$0x10080]  }
0x1e7: {  	v8 =	vld [tilespmem:s11+$0xE380]  }
0x1e8: {  	v9 =	vld [tilespmem:s11+$0xE300]  }
0x1e9: {  	v10 =	vld [tilespmem:s11+$0xE100]  }
0x1ea: {  	v11 =	vld [tilespmem:s11+$0xC300]  }
0x1eb: {  	v3 =	vmul.f32 $5.000000000e+00, v3;
	v12 =	vld [tilespmem:s11+$0xC280]  }
0x1ec: {  	v13 =	vld [tilespmem:s11+$0xE200]  }
0x1ed: {  	v14 =	vld [tilespmem:s11+$0xE280]  }
0x1ee: {  	v15 =	vld [tilespmem:s11+$0xE080]  }
0x1ef: {  	v16 =	vld [tilespmem:s11+$0xC200]  }
0x1f0: {  	v17 =	vld [tilespmem:s11+$0xA100]  }
0x1f1: {  	v18 =	vld [tilespmem:s11+$0xC180]  }
0x1f2: {  	v19 =	vld [tilespmem:s11+$0xC380];
	v13 =	vadd.f32 v14, v13  }
0x1f3: {  	v14 =	vld [tilespmem:s11+$0xC100]  }
0x1f4: {  	v20 =	vld [tilespmem:s11+$0xE000];
	v9 =	vadd.f32 v9, v13  }
0x1f5: {  	v13 =	vld [tilespmem:s11+$0xA000]  }
0x1f6: {  	v21 =	vld [tilespmem:s11+$0xA080];
	v8 =	vadd.f32 v8, v9  }
0x1f7: {  	v9 =	vld [tilespmem:s11+$0xA200]  }
0x1f8: {  	v14 =	vadd.f32 v18, v14;
	v5 =	vadd.f32 v5, v8;
	v8 =	vld [tilespmem:s11+$0x10200]  }
0x1f9: {  	v18 =	vld [tilespmem:s11+$0xA180];
	v19 =	vadd.f32 v20, v19  }
0x1fa: {  	v14 =	vadd.f32 v16, v14;
	v16 =	vld [tilespmem:s11+$0xE180];
	v5 =	vsub.f32 v5, v3  }
0x1fb: {  	v6 =	vadd.f32 v6, v7;
	v13 =	vadd.f32 v21, v13;
	v7 =	vld [tilespmem:s11+$0x10380]  }
0x1fc: {  	v15 =	vadd.f32 v15, v19;
	v5 =	vadd.f32 $0.0e+00, v5;
	v19 =	vld [tilespmem:s11+$0x10280]  }
0x1fd: {  	v4 =	vadd.f32 v4, v6;
	v13 =	vadd.f32 v17, v13;
	v6 =	vld [tilespmem:s11+$0x10300]  }
0x1fe: {  	v12 =	vadd.f32 v12, v14;
	v10 =	vadd.f32 v10, v15;
	v5 =	vmul.f32 $1.442695020e+00, v5  }
0x1ff: {  	v4 =	vadd.f32 v8, v4;
	v13 =	vadd.f32 v18, v13;
	v8 =	vld [tilespmem:s11+$0x12000]  }
0x200: {  	v11 =	vadd.f32 v11, v12;
	v10 =	vadd.f32 v16, v10;
	(erf) = vpow2.f32 v5  }
0x201: {  	v5 =	vadd.f32 v9, v13;
	v4 =	vadd.f32 v19, v4;
	v9 =	vld [tilespmem:s11+$0x12080]  }
0x202: {  	v10 =	vsub.f32 v10, v3;
	v6 =	vadd.f32 v7, v6  }
0x203: {  	v5 =	vsub.f32 v5, v3;
	v4 =	vsub.f32 v4, v3;
	v7 =	vld [tilespmem:s11+$0x12100]  }
0x204: {  	v10 =	vadd.f32 $0.0e+00, v10;
	v6 =	vadd.f32 v8, v6  }
0x205: {  	v5 =	vadd.f32 $0.0e+00, v5;
	v4 =	vadd.f32 $0.0e+00, v4  }
0x206: {  	v8 =	vsub.f32 v11, v3;
	v10 =	vmul.f32 $1.442695020e+00, v10;
	v6 =	vadd.f32 v9, v6  }
0x207: {  	v5 =	vmul.f32 $1.442695020e+00, v5;
	v4 =	vmul.f32 $1.442695020e+00, v4  }
0x208: {  	v8 =	vadd.f32 $0.0e+00, v8;
	v6 =	vadd.f32 v7, v6;
	(erf) = vpow2.f32 v10  }
0x209: {  	v7 =	vpop (erf);
	(erf) = vpow2.f32 v4  }
0x20a: {  	v4 =	vadd.f32 $1.000000000e+00, v7;
	v6 =	vsub.f32 v6, v3;
	(erf) = vpow2.f32 v5  }
0x20b: {  	v5 =	vmul.f32 $1.442695020e+00, v8  }
0x20c: {  	v6 =	vadd.f32 $0.0e+00, v6  }
0x20d: {  	(erf) = vpow2.f32 v5  }
0x20e: {  	v6 =	vmul.f32 $1.442695020e+00, v6;
	_ =	sdelay $0x1  }
0x20f: {  	(erf) = vpow2.f32 v6  }
0x210: {  	v5 =	vpop (erf)  }
0x211: {  	v5 =	vadd.f32 $1.000000000e+00, v5;
	v6 =	vpop (erf)  }
0x212: {  	v6 =	vadd.f32 $1.000000000e+00, v6;
	v7 =	vpop (erf)  }
0x213: {  	v8 =	vadd.f32 $1.000000000e+00, v7;
	_ =	sdelay $0x1  }
0x214: {  	(erf) = vrcp.f32 v8;
	v7 =	vpop (erf)  }
0x215: {  	v7 =	vadd.f32 $1.000000000e+00, v7;
	_ =	sdelay $0x1  }
0x216: {  	(erf) = vrcp.f32 v5;
	v5 =	vpop (erf)  }
0x217: {  	v5 =	vadd.f32 $1.000000000e+00, v5;
	(erf) = vrcp.f32 v4  }
0x218: {  	(erf) = vrcp.f32 v6  }
0x219: {  	(erf) = vrcp.f32 v5  }
0x21a: {  	v4 =	vld [tilespmem:s11+$0xA300];
	(erf) = vrcp.f32 v7  }
0x21b: {  	v5 =	vld [tilespmem:s11+$0xA280]  }
0x21c: {  	s12 =	sor.u32 s13, s12;
	v6 =	vld [tilespmem:s11+$0x12200];
	v7 =	vpop (erf)  }
0x21d: {  	s14 =	sor.u32 $0x380, s12;
	[tilespmem:s11+$0x16000] =	vst v7;
	v7 =	vld [tilespmem:s11+$0x12180]  }
0x21e: {  	v8 =	vld [tilespmem:s14+$0xA000]  }
0x21f: {  	v9 =	vld [tilespmem:s11+$0x12280];
	v10 =	vpop (erf)  }
0x220: {  	v4 =	vadd.f32 v4, v5;
	v5 =	vld [tilespmem:s11+$0xC000];
	[tilespmem:s11+$0x16180] =	vst v10;
	v10 =	vpop (erf)  }
0x221: {  	[tilespmem:s11+$0x16200] =	vst v10;
	v10 =	vld [tilespmem:s11+$0x12300];
	v11 =	vpop (erf)  }
0x222: {  	v12 =	vld [tilespmem:s11+$0xC080];
	[tilespmem:s11+$0x16280] =	vst v11;
	v6 =	vadd.f32 v6, v7;
	v7 =	vpop (erf)  }
0x223: {  	v4 =	vadd.f32 v8, v4;
	[tilespmem:s11+$0x16300] =	vst v7;
	v7 =	vld [tilespmem:s11+$0x12380];
	v8 =	vpop (erf)  }
0x224: {  	[tilespmem:s11+$0x16100] =	vst v8;
	v6 =	vadd.f32 v9, v6  }
0x225: {  	v4 =	vadd.f32 v5, v4  }
0x226: {  	v5 =	vadd.f32 v10, v6  }
0x227: {  	v4 =	vadd.f32 v12, v4  }
0x228: {  	v5 =	vadd.f32 v7, v5  }
0x229: {  	v4 =	vsub.f32 v4, v3  }
.Ltmp6:
0x22a: {  	v3 =	vsub.f32 v5, v3;
	(pc) =	sbr.rel @p0 .LBB2_7-.Ltmp6, $4  }
0x22b: {  	v4 =	vadd.f32 $0.0e+00, v4  }
0x22c: {  	v5 =	vadd.f32 $0.0e+00, v3  }
0x22d: {  	v3 =	vmul.f32 $1.442695020e+00, v4  }
0x22e: {  	v4 =	vmul.f32 $1.442695020e+00, v5  }
0x22f: {  	(erf) = vpow2.f32 v3  }
0x230: {  	(erf) = vpow2.f32 v4;
	_ =	sdelay $0x7  }
0x231: {  	v3 =	vpop (erf)  }
0x232: {  	v3 =	vadd.f32 $1.000000000e+00, v3;
	v4 =	vpop (erf)  }
0x233: {  	v4 =	vadd.f32 $1.000000000e+00, v4  }
0x234: {  	(erf) = vrcp.f32 v3  }
0x235: {  	(erf) = vrcp.f32 v4;
	_ =	sdelay $0x5  }
.Ltmp7:
0x236: {  	_ = 	snop;
	(pc) =	sbr.rel @p1 .LBB2_10-.Ltmp7, $4  }
0x237: {  	_ = 	snop  }
0x238: {  	v3 =	vpop (erf)  }
0x239: {  	[tilespmem:s11+$0x16080] =	vst v3;
	v3 =	vpop (erf)  }
0x23a: {  	[tilespmem:s14+$0x16000] =	vst v3  }
0x23b: {  	s5 =	smul.u32 $0x140, s0;
	_ =	sdelay $0x1  }
0x23c: {  	s5 =	sshra.s32 s5, $0x2  }
0x23d: {  	v3 =	vld [tilespmem:s5+$0x18078];
	_ =	sdelay $0x4  }
0x23e: {  	v4 =	vshll.u32 v3, $0x3  }
0x23f: {  	v3 =	vand.u32 $0x7, v3;
	v4 =	vand.u32 $0xFFFFFFC0, v4  }
0x240: {  	v3 =	vor.u32 v3, v4  }
0x241: {  	v4 =	vperm.xlane v3, v0;
	_ =	sdelay $0x1  }
0x242: {  	v4 =	vadd.s32 v1, v4;
	_ =	sdelay $0x3  }
0x243: {  	s10 =	simm.s32 $0xA000  }
0x244: {  	[tilespmem:s10], [sflag:$0x2] =	stream.indirect_vreg.gather [hbm4b:s1+s4], $0x80, v4, vm0, $0xb8;
	[tilespmem:$0x18680] =	vst v63  }
0x245: {  	s15 =	simm.s32 $0xA800;
	v3 =	vperm.xlane v3, v2  }
0x246: {  	[tilespmem:s15], [sflag:$0x2] =	stream.indirect_vreg.gather [hbm4b:s6+s4], $0x80, v4, vm0, $0xb8;
	[tilespmem:$0x18680] =	vst v63  }
0x247: {  	s16 =	simm.s32 $0xB000;
	v3 =	vadd.s32 v1, v3  }
0x248: {  	[tilespmem:s16], [sflag:$0x2] =	stream.indirect_vreg.gather [hbm4b:s7+s4], $0x80, v4, vm0, $0xb8;
	[tilespmem:$0x18680] =	vst v63  }
0x249: {  	s11 =	simm.s32 $0xB800  }
0x24a: {  	[tilespmem:s11], [sflag:$0x2] =	stream.indirect_vreg.gather [hbm4b:s8+s4], $0x80, v4, vm0, $0xb8;
	[tilespmem:$0x18680] =	vst v63  }
0x24b: {  	s12 =	simm.s32 $0xC000  }
0x24c: {  	[tilespmem:s12], [sflag:$0x2] =	stream.indirect_vreg.gather [hbm4b:s1+s4], $0x80, v3, vm0, $0xb8;
	[tilespmem:$0x18680] =	vst v63  }
0x24d: {  	s13 =	simm.s32 $0xC800  }
0x24e: {  	[tilespmem:s13], [sflag:$0x2] =	stream.indirect_vreg.gather [hbm4b:s6+s4], $0x80, v3, vm0, $0xb8;
	[tilespmem:$0x18680] =	vst v63  }
0x24f: {  	s14 =	simm.s32 $0xD000  }
0x250: {  	[tilespmem:s14], [sflag:$0x2] =	stream.indirect_vreg.gather [hbm4b:s7+s4], $0x80, v3, vm0, $0xb8;
	[tilespmem:$0x18680] =	vst v63  }
0x251: {  	s15 =	simm.s32 $0xD800  }
0x252: {  	[tilespmem:s15], [sflag:$0x2] =	stream.indirect_vreg.gather [hbm4b:s8+s4], $0x80, v3, vm0, $0xb8;
	[tilespmem:$0x18680] =	vst v63  }
0x253: {  	v3 =	vld [tilespmem:s5+$0x18088];
	_ =	sdelay $0x4  }
0x254: {  	v62 =	vshll.u32 v3, $0x3  }
0x255: {  	v3 =	vand.u32 $0x7, v3;
	v4 =	vand.u32 $0xFFFFFFC0, v62  }
0x256: {  	v3 =	vor.u32 v3, v4  }
0x257: {  	v4 =	vperm.xlane v3, v0;
	_ =	sdelay $0x1  }
0x258: {  	v4 =	vadd.s32 v1, v4;
	_ =	sdelay $0x3  }
0x259: {  	s16 =	simm.s32 $0xE000  }
0x25a: {  	[tilespmem:s16], [sflag:$0x2] =	stream.indirect_vreg.gather [hbm4b:s1+s4], $0x80, v4, vm0, $0xb8;
	[tilespmem:$0x18680] =	vst v63  }
0x25b: {  	v3 =	vperm.xlane v3, v2  }
0x25c: {  	[tilespmem:s17], [sflag:$0x2] =	stream.indirect_vreg.gather [hbm4b:s6+s4], $0x80, v4, vm0, $0xb8;
	[tilespmem:$0x18680] =	vst v63  }
0x25d: {  	v3 =	vadd.s32 v1, v3  }
0x25e: {  	[tilespmem:s18], [sflag:$0x2] =	stream.indirect_vreg.gather [hbm4b:s7+s4], $0x80, v4, vm0, $0xb8;
	[tilespmem:$0x18680] =	vst v63  }
0x25f: {  	_ = 	snop  }
0x260: {  	[tilespmem:s19], [sflag:$0x2] =	stream.indirect_vreg.gather [hbm4b:s8+s4], $0x80, v4, vm0, $0xb8;
	[tilespmem:$0x18680] =	vst v63  }
0x261: {  	_ = 	snop  }
0x262: {  	[tilespmem:s20], [sflag:$0x2] =	stream.indirect_vreg.gather [hbm4b:s1+s4], $0x80, v3, vm0, $0xb8;
	[tilespmem:$0x18680] =	vst v63  }
0x263: {  	_ = 	snop  }
0x264: {  	[tilespmem:s21], [sflag:$0x2] =	stream.indirect_vreg.gather [hbm4b:s6+s4], $0x80, v3, vm0, $0xb8;
	[tilespmem:$0x18680] =	vst v63  }
0x265: {  	_ = 	snop  }
0x266: {  	[tilespmem:s22], [sflag:$0x2] =	stream.indirect_vreg.gather [hbm4b:s7+s4], $0x80, v3, vm0, $0xb8;
	[tilespmem:$0x18680] =	vst v63  }
0x267: {  	_ = 	snop  }
0x268: {  	[tilespmem:s23], [sflag:$0x2] =	stream.indirect_vreg.gather [hbm4b:s8+s4], $0x80, v3, vm0, $0xb8;
	[tilespmem:$0x18680] =	vst v63  }
0x269: {  	v3 =	vld.msk [tilespmem:s5+$0x18098], $0xff;
	_ =	sdelay $0x4  }
0x26a: {  	v63 =	vshll.u32 v3, $0x3  }
0x26b: {  	v3 =	vand.u32 $0x7, v3;
	v4 =	vand.u32 $0xFFFFFFC0, v63  }
0x26c: {  	v3 =	vor.u32 v3, v4  }
0x26d: {  	v3 =	vperm.xlane v3, v0;
	_ =	sdelay $0x1  }
0x26e: {  	v3 =	vadd.s32 v1, v3;
	_ =	sdelay $0x4  }
0x26f: {  	[tilespmem:s24], [sflag:$0x2] =	stream.indirect_vreg.gather [hbm4b:s1+s4], $0x80, v3, vm0, $0xb8;
	[tilespmem:$0x18680] =	vst v63  }
0x270: {  	_ = 	snop  }
0x271: {  	[tilespmem:s25], [sflag:$0x2] =	stream.indirect_vreg.gather [hbm4b:s6+s4], $0x80, v3, vm0, $0xb8;
	[tilespmem:$0x18680] =	vst v63  }
.Ltmp8:
0x272: {  	_ = 	snop;
	(pc) =	sbr.rel .LBB2_10-.Ltmp8, $4  }
0x273: {  	_ = 	snop  }
0x274: {  	[tilespmem:s26], [sflag:$0x2] =	stream.indirect_vreg.gather [hbm4b:s7+s4], $0x80, v3, vm0, $0xb8;
	[tilespmem:$0x18680] =	vst v63  }
0x275: {  	_ = 	snop  }
0x276: {  	[tilespmem:s28], [sflag:$0x2] =	stream.indirect_vreg.gather [hbm4b:s8+s4], $0x80, v3, vm0, $0xb8;
	[tilespmem:$0x18680] =	vst v63  }
.LBB2_12:
0x277: {  	_ =	sfence.sel $0x180000  }
0x278: {  	[bflag:$0x0] =	sbarrier.arrive $0xFFFF  }
0x279: {  	_ =	strace $0x90000047  }
0x27a: {  	s0 =	stileid.u32;
	[bflag:$0x2] =	sbarrier.arrive $0xFFFF  }
0x27b: {  	p0 =	sne.s32 s0, $0x0;
	s0 =	rddreg [dreg:$0x4]  }
0x27c: {  	s0 =	sadd.s32 @!p0 $0x100000, s0  }
0x27d: {  	[sflag:s0] =	ssyncadd.tile.s32 @!p0 $0x1;
	_ =	shalt  }
.Lfunc_end2:
_tile_overlayer_lowered:
.L_overlay_start_2:
0x27e: {  	(tag) =	ssettag $0x2  }
0x27f: {  	s0 =	rddreg [dreg:$0x0];
	s2 =	stileid.u32  }
0x280: {  	s1 =	rddreg [dreg:$0x1];
	p0 =	sne.s32 s2, $0x0  }
0x281: {  	s3 =	rddreg [dreg:$0x2];
	[bflag:$0x3] =	sbarrier.arrive $0xFFFF;
	s2 =	simm.s32 @!p0 $0x1C05  }
0x282: {  	[timem:s3], [sflag:s2] =	dma.local @!p0 [hbm:s0], s1  }
0x283: {  	s0 =	simm.s32 @!p0 $0x5  }
0x284: {  	_ =	swait.ge @!p0 [sflag:s0], s1  }
0x285: {  	s1 =	ssub.s32 @!p0 $0x0, s1;
	[sflag:s0] =	ssyncset.done @!p0 $0x0  }
0x286: {  	[sflag:s0] =	ssyncadd.s32 @!p0 s1  }
0x287: {  	[bflag:$0x3] =	sbarrier.arrive $0xFFFF  }
0x288: {  	_ =	shalt  }

</sc_bundles>
